<compile_context>
chip_gen: v7x
topology: tpu7x:2x2x1
jax: 0.10.2.dev20260603
libtpu: 0.0.44.dev20260713+nightly
codegen_flags: <defaults>
</compile_context>

<pallas_src>
import functools

import jax
import jax.numpy as jnp
from jax import lax
from jax.experimental import pallas as pl
from jax.experimental.pallas import tpu as pltpu
from jax.experimental.pallas import tpu_sc as plsc

ROWS, COLS = 128, 32768
N = ROWS * COLS
K = int(0.1 * N)
NB = 65536
NC, NS = 2, 16
NW = NC * NS
PER_W = N // NW
CCOLS = 2048
NCHUNK = (COLS // 2) // CCOLS
INT_MIN32 = -2147483648



def _sortable_key(f16):
    u = lax.bitcast_convert_type(f16, jnp.int32)
    m = lax.shift_right_arithmetic(u, 31)
    flip = lax.bitwise_or(m, jnp.full((16,), INT_MIN32, jnp.int32))
    return lax.bitwise_xor(u, flip)


def _sc_hist_body(
    x_hbm, sel_hbm, out_hbm, data0_v, data1_v, sem0, sem1, hist_v, sel_v, *, low_pass
):
    c = lax.axis_index("c")
    s = lax.axis_index("s")
    wid = s * NC + c
    zeros = jnp.zeros((16,), jnp.int32)
    low_mask = jnp.full((16,), 0xFFFF, jnp.int32)
    band = wid // 2
    col0 = (wid % 2) * (COLS // 2)

    def _chunk_src(ci):
        return x_hbm.at[pl.ds(band * 8, 8), pl.ds(col0 + ci * CCOLS, CCOLS)]

    def _issue(ci, buf, sem):
        pltpu.make_async_copy(_chunk_src(ci), buf, sem).start()

    def _wait(buf, sem):
        pltpu.make_async_copy(_chunk_src(0), buf, sem).wait()

    _issue(0, data0_v, sem0)
    _issue(1, data1_v, sem1)

    @pl.loop(0, NB // 16, unroll=8)
    def _zero(i):
        hist_v[pl.ds(i * 16, 16)] = zeros

    if low_pass:
        pltpu.sync_copy(sel_hbm.at[pl.ds(0, 16)], sel_v)
        bvec = sel_v[...]

    def _compute(buf):
        @plsc.parallel_loop(0, 8 * CCOLS // 16, unroll=8)
        def _vec(vi):
            r = lax.shift_right_logical(vi, 7)
            cc = lax.shift_left(lax.bitwise_and(vi, 127), 4)
            key = _sortable_key(buf[r, pl.ds(cc, 16)])
            hi = lax.shift_right_logical(key, 16)
            if low_pass:
                lo = lax.bitwise_and(key, low_mask)
                cnt, lastm = plsc.scan_count(lo, mask=hi == bvec)
                plsc.addupdate_scatter(hist_v, [lo], cnt, mask=lastm)
            else:
                cnt, lastm = plsc.scan_count(hi)
                plsc.addupdate_scatter(hist_v, [hi], cnt, mask=lastm)

    @pl.loop(0, NCHUNK // 2)
    def _pair(i):
        c0 = 2 * i
        _wait(data0_v, sem0)
        _compute(data0_v)
        _issue(jnp.minimum(c0 + 2, NCHUNK - 1), data0_v, sem0)
        _wait(data1_v, sem1)
        _compute(data1_v)
        _issue(jnp.minimum(c0 + 3, NCHUNK - 1), data1_v, sem1)

    _wait(data0_v, sem0)
    _wait(data1_v, sem1)

    pltpu.sync_copy(hist_v, out_hbm.at[pl.ds(wid * NB, NB)])


@functools.lru_cache(maxsize=None)
def _sc_kernels():
    mesh = plsc.VectorSubcoreMesh(
        core_axis_name="c", subcore_axis_name="s", num_cores=NC, num_subcores=NS
    )

    @functools.partial(
        pl.kernel,
        out_type=jax.ShapeDtypeStruct((NW * NB,), jnp.int32),
        mesh=mesh,
        scratch_types=[
            pltpu.VMEM((8, CCOLS), jnp.float32),
            pltpu.VMEM((8, CCOLS), jnp.float32),
            pltpu.SemaphoreType.DMA,
            pltpu.SemaphoreType.DMA,
            pltpu.VMEM((NB,), jnp.int32),
        ],
        compiler_params=pltpu.CompilerParams(
            needs_layout_passes=False, use_tc_tiling_on_sc=True
        ),
    )
    def _sc_hist_hi(x_hbm, out_hbm, data0_v, data1_v, sem0, sem1, hist_v):
        _sc_hist_body(
            x_hbm, None, out_hbm, data0_v, data1_v, sem0, sem1, hist_v, None,
            low_pass=False,
        )

    @functools.partial(
        pl.kernel,
        out_type=jax.ShapeDtypeStruct((NW * NB,), jnp.int32),
        mesh=mesh,
        scratch_types=[
            pltpu.VMEM((8, CCOLS), jnp.float32),
            pltpu.VMEM((8, CCOLS), jnp.float32),
            pltpu.SemaphoreType.DMA,
            pltpu.SemaphoreType.DMA,
            pltpu.VMEM((NB,), jnp.int32),
            pltpu.VMEM((16,), jnp.int32),
        ],
        compiler_params=pltpu.CompilerParams(
            needs_layout_passes=False, use_tc_tiling_on_sc=True
        ),
    )
    def _sc_hist_lo(x_hbm, sel_hbm, out_hbm, data0_v, data1_v, sem0, sem1, hist_v, sel_v):
        _sc_hist_body(
            x_hbm, sel_hbm, out_hbm, data0_v, data1_v, sem0, sem1, hist_v, sel_v,
            low_pass=True,
        )

    return _sc_hist_hi, _sc_hist_lo


def _cum_incl(hf):
    i0 = lax.broadcasted_iota(jnp.int32, (512, 512), 0)
    i1 = lax.broadcasted_iota(jnp.int32, (512, 512), 1)
    l_strict = (i1 < i0).astype(jnp.float32)
    j0 = lax.broadcasted_iota(jnp.int32, (128, 128), 0)
    j1 = lax.broadcasted_iota(jnp.int32, (128, 128), 1)
    u_incl = (j0 <= j1).astype(jnp.float32)
    prev_rows = jnp.sum(
        jax.lax.dot(l_strict, hf, preferred_element_type=jnp.float32), axis=1
    )
    col_cum = jax.lax.dot(hf, u_incl, preferred_element_type=jnp.float32)
    return prev_rows[:, None] + col_cum


def _rank_select(h32, rank_f):
    hf = jnp.sum(h32.reshape(NW, 512, 128), axis=0).astype(jnp.float32)
    cum = _cum_incl(hf)
    bstar = jnp.sum((cum <= rank_f).astype(jnp.float32)).astype(jnp.int32)
    idx = (
        lax.broadcasted_iota(jnp.int32, (512, 128), 0) * 128
        + lax.broadcasted_iota(jnp.int32, (512, 128), 1)
    )
    below = jnp.sum(jnp.where(idx < bstar, hf, 0.0)).astype(jnp.int32)
    return bstar, below


def _tca_body(h_ref, sel_ref):
    bstar, below = _rank_select(h_ref[...], jnp.float32(K))
    r = K - below
    row = lax.broadcasted_iota(jnp.int32, (8, 128), 0)
    sel_ref[...] = jnp.where(row == 0, bstar, jnp.where(row == 1, r, 0))


_tca = pl.pallas_call(
    _tca_body,
    out_shape=jax.ShapeDtypeStruct((8, 128), jnp.int32),
)


def _tcb_body(sel_ref, h_ref, x_ref, out_ref, eps_ref):
    @pl.when(pl.program_id(0) == 0)
    def _():
        bstar = sel_ref[0, 0]
        r = sel_ref[1, 0]
        lstar, _ = _rank_select(h_ref[...], r.astype(jnp.float32))
        key = lax.bitwise_or(lax.shift_left(bstar, 16), lstar)
        u = jnp.where(
            key < 0,
            lax.bitwise_xor(key, jnp.int32(INT_MIN32)),
            lax.bitwise_not(key),
        )
        eps_ref[0] = lax.bitcast_convert_type(u, jnp.float32)

    out_ref[...] = jnp.maximum(x_ref[...], eps_ref[0])


_tcb = pl.pallas_call(
    _tcb_body,
    grid=(16,),
    in_specs=[
        pl.BlockSpec((8, 128), lambda i: (0, 0), memory_space=pltpu.SMEM),
        pl.BlockSpec((NW * NB // 128, 128), lambda i: (0, 0)),
        pl.BlockSpec((ROWS // 16, COLS), lambda i: (i, 0)),
    ],
    out_specs=pl.BlockSpec((ROWS // 16, COLS), lambda i: (i, 0)),
    out_shape=jax.ShapeDtypeStruct((ROWS, COLS), jnp.float32),
    scratch_shapes=[pltpu.SMEM((1,), jnp.float32)],
)


def kernel(x):
    sc_hist_hi, sc_hist_lo = _sc_kernels()
    h1 = sc_hist_hi(x)
    sel = _tca(h1.reshape(NW * NB // 128, 128))
    h2 = sc_hist_lo(x, sel.reshape(-1))
    return _tcb(sel, h2.reshape(NW * NB // 128, 128), x)

# --- scband reference (transcript-rebuilt; emitter-appended) ---
"""Pipeline reference for scband-clip-6992206758059 (READ-ONLY COPY).

The authoritative reference and input builder live on the scoring server;
editing this copy changes nothing except your own understanding.
"""

import jax, jax.numpy as jnp
import numpy as np


def setup_inputs(seed: int = 0) -> dict:
    key = jax.random.key(seed)
    x = jax.random.normal(key, (128, 32768), dtype=jnp.float32)
    return {"x": x}


def reference(x):
    # eps = 10th percentile of flattened x (via full sort, matching torch.sort)
    flat = jnp.sort(x.reshape(-1))
    eps = flat[int(0.1 * x.size)]
    # torch.clip(x, eps) clips only the minimum
    return jnp.clip(x, eps, None)

if __name__ == "__main__":
    import jax
    _d = setup_inputs()
    print(jax.jit(kernel)(*tuple(_d.values())))

</pallas_src>

<mosaic_0001>
#map = affine_map<(d0, d1) -> (0, 0)>
#map1 = affine_map<(d0, d1) -> (0)>
module attributes {stable_mosaic.version = 14 : i64} {
  func.func @_sc_hist_lo(%arg0: i32, %arg1: i32, %arg2: memref<128x32768xf32, #tpu.memory_space<hbm>>, %arg3: memref<1024xi32, #tpu.memory_space<hbm>>, %arg4: memref<2097152xi32, #tpu.memory_space<hbm>>, %arg5: memref<8x2048xf32, #tpu.memory_space<vmem>>, %arg6: memref<8x2048xf32, #tpu.memory_space<vmem>>, %arg7: memref<!tpu.dma_semaphore, #tpu.memory_space<semaphore_mem>>, %arg8: memref<!tpu.dma_semaphore, #tpu.memory_space<semaphore_mem>>, %arg9: memref<65536xi32, #tpu.memory_space<vmem>>, %arg10: memref<16xi32, #tpu.memory_space<vmem>>) attributes {dimension_semantics = [#tpu.dimension_semantics<core_parallel>, #tpu.dimension_semantics<subcore_parallel>], iteration_bounds = array<i64: 2, 16>, scalar_prefetch = 0 : i64, scratch_operands = 6 : i64, tpu.core_type = #tpu.core_type<sc_vector_subcore>, window_params = [{transform_indices = #map}, {transform_indices = #map1}, {transform_indices = #map1}]} {
    %mul3A = arith.constant 2 : i32
    %mul3A_0 = arith.muli %arg1, %mul3A : i32
    %add3A = arith.addi %mul3A_0, %arg0 : i32
    %broadcast_in_dim3A = arith.constant 0 : i32
    %broadcast_in_dim3A_1 = vector.broadcast %broadcast_in_dim3A : i32 to vector<16xi32>
    %broadcast_in_dim3A_2 = arith.constant 65535 : i32
    %broadcast_in_dim3A_3 = vector.broadcast %broadcast_in_dim3A_2 : i32 to vector<16xi32>
    %jit3A = arith.constant 2 : i32
    %div3A = arith.divsi %add3A, %jit3A : i32
    %sign3A = arith.constant 0 : i32
    %sign3A_4 = arith.cmpi sgt, %add3A, %sign3A : i32
    %sign3A_5 = arith.extui %sign3A_4 : i1 to i32
    %sign3A_6 = arith.constant 0 : i32
    %sign3A_7 = arith.cmpi slt, %add3A, %sign3A_6 : i32
    %sign3A_8 = arith.extui %sign3A_7 : i1 to i32
    %sign3A_9 = arith.subi %sign3A_5, %sign3A_8 : i32
    %sign3A_10 = arith.constant 0 : i32
    %sign3A_11 = arith.cmpi sgt, %jit3A, %sign3A_10 : i32
    %sign3A_12 = arith.extui %sign3A_11 : i1 to i32
    %sign3A_13 = arith.constant 0 : i32
    %sign3A_14 = arith.cmpi slt, %jit3A, %sign3A_13 : i32
    %sign3A_15 = arith.extui %sign3A_14 : i1 to i32
    %sign3A_16 = arith.subi %sign3A_12, %sign3A_15 : i32
    %ne3A = arith.cmpi ne, %sign3A_9, %sign3A_16 : i32
    %rem3A = arith.remsi %add3A, %jit3A : i32
    %ne3A_17 = arith.constant 0 : i32
    %ne3A_18 = arith.cmpi ne, %rem3A, %ne3A_17 : i32
    %and3A = arith.andi %ne3A, %ne3A_18 : i1
    %sub3A = arith.constant 1 : i32
    %sub3A_19 = arith.subi %div3A, %sub3A : i32
    %select_n3A = arith.select %and3A, %sub3A_19, %div3A : i32
    %jit3A_20 = arith.constant 2 : i32
    %eq3A = arith.constant 0 : i32
    %eq3A_21 = arith.cmpi eq, %jit3A_20, %eq3A : i32
    %jit3A_22 = arith.constant 1 : i32
    %select_n3A_23 = arith.select %eq3A_21, %jit3A_22, %jit3A_20 : i32
    %rem3A_24 = arith.remsi %add3A, %select_n3A_23 : i32
    %ne3A_25 = arith.constant 0 : i32
    %ne3A_26 = arith.cmpi ne, %rem3A_24, %ne3A_25 : i32
    %lt3A = arith.constant 0 : i32
    %lt3A_27 = arith.cmpi slt, %rem3A_24, %lt3A : i32
    %lt3A_28 = arith.constant 0 : i32
    %lt3A_29 = arith.cmpi slt, %select_n3A_23, %lt3A_28 : i32
    %ne3A_30 = arith.xori %lt3A_27, %lt3A_29 : i1
    %and3A_31 = arith.andi %ne3A_30, %ne3A_26 : i1
    %add3A_32 = arith.addi %rem3A_24, %select_n3A_23 : i32
    %select_n3A_33 = arith.select %and3A_31, %add3A_32, %rem3A_24 : i32
    %mul3A_34 = arith.constant 16384 : i32
    %mul3A_35 = arith.muli %select_n3A_33, %mul3A_34 : i32
    %mul3A_36 = arith.constant 8 : i32
    %mul3A_37 = arith.muli %select_n3A, %mul3A_36 : i32
    %add3A_38 = arith.constant 0 : i32
    %add3A_39 = arith.addi %mul3A_35, %add3A_38 : i32
    %dma_start3A = tpu.memref_slice %arg2[%mul3A_37, %add3A_39] : memref<128x32768xf32, #tpu.memory_space<hbm>> -> memref<8x2048xf32, #tpu.memory_space<hbm>>
    %dma_start3A_40 = tpu.memref_slice %arg2[%mul3A_37, %add3A_39] : memref<128x32768xf32, #tpu.memory_space<hbm>> -> memref<8x2048xf32, #tpu.memory_space<hbm>>
    tpu.enqueue_dma source(%dma_start3A_40 : memref<8x2048xf32, #tpu.memory_space<hbm>>) target(%arg5 : memref<8x2048xf32, #tpu.memory_space<vmem>>) target_semaphore(%arg7 : memref<!tpu.dma_semaphore, #tpu.memory_space<semaphore_mem>>)
    %mul3A_41 = arith.constant 8 : i32
    %mul3A_42 = arith.muli %select_n3A, %mul3A_41 : i32
    %add3A_43 = arith.constant 2048 : i32
    %add3A_44 = arith.addi %mul3A_35, %add3A_43 : i32
    %dma_start3A_45 = tpu.memref_slice %arg2[%mul3A_42, %add3A_44] : memref<128x32768xf32, #tpu.memory_space<hbm>> -> memref<8x2048xf32, #tpu.memory_space<hbm>>
    %dma_start3A_46 = tpu.memref_slice %arg2[%mul3A_42, %add3A_44] : memref<128x32768xf32, #tpu.memory_space<hbm>> -> memref<8x2048xf32, #tpu.memory_space<hbm>>
    tpu.enqueue_dma source(%dma_start3A_46 : memref<8x2048xf32, #tpu.memory_space<hbm>>) target(%arg6 : memref<8x2048xf32, #tpu.memory_space<vmem>>) target_semaphore(%arg8 : memref<!tpu.dma_semaphore, #tpu.memory_space<semaphore_mem>>)
    %scan3A = arith.constant 0 : i32
    %scan3A_47 = arith.constant 4096 : i32
    %scan3A_48 = arith.addi %scan3A, %scan3A_47 : i32
    %scan3A_49 = arith.constant 8 : i32
    scf.for %scan3A_70 = %scan3A to %scan3A_48 step %scan3A_49  : i32 {
      %mul3A_71 = arith.constant 1 : i32
      %mul3A_72 = arith.muli %scan3A_70, %mul3A_71 : i32
      %add3A_73 = arith.constant 0 : i32
      %add3A_74 = arith.addi %add3A_73, %mul3A_72 : i32
      %mul3A_75 = arith.constant 16 : i32
      %mul3A_76 = arith.muli %add3A_74, %mul3A_75 : i32
      %swap3A = arith.index_cast %mul3A_76 : i32 to index
      %swap3A_77 = tpu.vector_load %arg9[%swap3A] {strides = array<i32>} : memref<65536xi32, #tpu.memory_space<vmem>>, vector<16xi32>,
      tpu.vector_store %arg9[%swap3A], %broadcast_in_dim3A_1 {strides = array<i32>} : memref<65536xi32, #tpu.memory_space<vmem>>, vector<16xi32>,
      %scan3A_78 = arith.constant 1 : i32
      %scan3A_79 = arith.addi %scan3A_70, %scan3A_78 : i32
      %mul3A_80 = arith.constant 1 : i32
      %mul3A_81 = arith.muli %scan3A_79, %mul3A_80 : i32
      %add3A_82 = arith.constant 0 : i32
      %add3A_83 = arith.addi %add3A_82, %mul3A_81 : i32
      %mul3A_84 = arith.constant 16 : i32
      %mul3A_85 = arith.muli %add3A_83, %mul3A_84 : i32
      %swap3A_86 = arith.index_cast %mul3A_85 : i32 to index
      %swap3A_87 = tpu.vector_load %arg9[%swap3A_86] {strides = array<i32>} : memref<65536xi32, #tpu.memory_space<vmem>>, vector<16xi32>,
      tpu.vector_store %arg9[%swap3A_86], %broadcast_in_dim3A_1 {strides = array<i32>} : memref<65536xi32, #tpu.memory_space<vmem>>, vector<16xi32>,
      %scan3A_88 = arith.constant 2 : i32
      %scan3A_89 = arith.addi %scan3A_70, %scan3A_88 : i32
      %mul3A_90 = arith.constant 1 : i32
      %mul3A_91 = arith.muli %scan3A_89, %mul3A_90 : i32
      %add3A_92 = arith.constant 0 : i32
      %add3A_93 = arith.addi %add3A_92, %mul3A_91 : i32
      %mul3A_94 = arith.constant 16 : i32
      %mul3A_95 = arith.muli %add3A_93, %mul3A_94 : i32
      %swap3A_96 = arith.index_cast %mul3A_95 : i32 to index
      %swap3A_97 = tpu.vector_load %arg9[%swap3A_96] {strides = array<i32>} : memref<65536xi32, #tpu.memory_space<vmem>>, vector<16xi32>,
      tpu.vector_store %arg9[%swap3A_96], %broadcast_in_dim3A_1 {strides = array<i32>} : memref<65536xi32, #tpu.memory_space<vmem>>, vector<16xi32>,
      %scan3A_98 = arith.constant 3 : i32
      %scan3A_99 = arith.addi %scan3A_70, %scan3A_98 : i32
      %mul3A_100 = arith.constant 1 : i32
      %mul3A_101 = arith.muli %scan3A_99, %mul3A_100 : i32
      %add3A_102 = arith.constant 0 : i32
      %add3A_103 = arith.addi %add3A_102, %mul3A_101 : i32
      %mul3A_104 = arith.constant 16 : i32
      %mul3A_105 = arith.muli %add3A_103, %mul3A_104 : i32
      %swap3A_106 = arith.index_cast %mul3A_105 : i32 to index
      %swap3A_107 = tpu.vector_load %arg9[%swap3A_106] {strides = array<i32>} : memref<65536xi32, #tpu.memory_space<vmem>>, vector<16xi32>,
      tpu.vector_store %arg9[%swap3A_106], %broadcast_in_dim3A_1 {strides = array<i32>} : memref<65536xi32, #tpu.memory_space<vmem>>, vector<16xi32>,
      %scan3A_108 = arith.constant 4 : i32
      %scan3A_109 = arith.addi %scan3A_70, %scan3A_108 : i32
      %mul3A_110 = arith.constant 1 : i32
      %mul3A_111 = arith.muli %scan3A_109, %mul3A_110 : i32
      %add3A_112 = arith.constant 0 : i32
      %add3A_113 = arith.addi %add3A_112, %mul3A_111 : i32
      %mul3A_114 = arith.constant 16 : i32
      %mul3A_115 = arith.muli %add3A_113, %mul3A_114 : i32
      %swap3A_116 = arith.index_cast %mul3A_115 : i32 to index
      %swap3A_117 = tpu.vector_load %arg9[%swap3A_116] {strides = array<i32>} : memref<65536xi32, #tpu.memory_space<vmem>>, vector<16xi32>,
      tpu.vector_store %arg9[%swap3A_116], %broadcast_in_dim3A_1 {strides = array<i32>} : memref<65536xi32, #tpu.memory_space<vmem>>, vector<16xi32>,
      %scan3A_118 = arith.constant 5 : i32
      %scan3A_119 = arith.addi %scan3A_70, %scan3A_118 : i32
      %mul3A_120 = arith.constant 1 : i32
      %mul3A_121 = arith.muli %scan3A_119, %mul3A_120 : i32
      %add3A_122 = arith.constant 0 : i32
      %add3A_123 = arith.addi %add3A_122, %mul3A_121 : i32
      %mul3A_124 = arith.constant 16 : i32
      %mul3A_125 = arith.muli %add3A_123, %mul3A_124 : i32
      %swap3A_126 = arith.index_cast %mul3A_125 : i32 to index
      %swap3A_127 = tpu.vector_load %arg9[%swap3A_126] {strides = array<i32>} : memref<65536xi32, #tpu.memory_space<vmem>>, vector<16xi32>,
      tpu.vector_store %arg9[%swap3A_126], %broadcast_in_dim3A_1 {strides = array<i32>} : memref<65536xi32, #tpu.memory_space<vmem>>, vector<16xi32>,
      %scan3A_128 = arith.constant 6 : i32
      %scan3A_129 = arith.addi %scan3A_70, %scan3A_128 : i32
      %mul3A_130 = arith.constant 1 : i32
      %mul3A_131 = arith.muli %scan3A_129, %mul3A_130 : i32
      %add3A_132 = arith.constant 0 : i32
      %add3A_133 = arith.addi %add3A_132, %mul3A_131 : i32
      %mul3A_134 = arith.constant 16 : i32
      %mul3A_135 = arith.muli %add3A_133, %mul3A_134 : i32
      %swap3A_136 = arith.index_cast %mul3A_135 : i32 to index
      %swap3A_137 = tpu.vector_load %arg9[%swap3A_136] {strides = array<i32>} : memref<65536xi32, #tpu.memory_space<vmem>>, vector<16xi32>,
      tpu.vector_store %arg9[%swap3A_136], %broadcast_in_dim3A_1 {strides = array<i32>} : memref<65536xi32, #tpu.memory_space<vmem>>, vector<16xi32>,
      %scan3A_138 = arith.constant 7 : i32
      %scan3A_139 = arith.addi %scan3A_70, %scan3A_138 : i32
      %mul3A_140 = arith.constant 1 : i32
      %mul3A_141 = arith.muli %scan3A_139, %mul3A_140 : i32
      %add3A_142 = arith.constant 0 : i32
      %add3A_143 = arith.addi %add3A_142, %mul3A_141 : i32
      %mul3A_144 = arith.constant 16 : i32
      %mul3A_145 = arith.muli %add3A_143, %mul3A_144 : i32
      %swap3A_146 = arith.index_cast %mul3A_145 : i32 to index
      %swap3A_147 = tpu.vector_load %arg9[%swap3A_146] {strides = array<i32>} : memref<65536xi32, #tpu.memory_space<vmem>>, vector<16xi32>,
      tpu.vector_store %arg9[%swap3A_146], %broadcast_in_dim3A_1 {strides = array<i32>} : memref<65536xi32, #tpu.memory_space<vmem>>, vector<16xi32>,
    }
    %scan3A_50 = arith.constant 4096 : i32
    "tpu.region"() ({
      %run_scoped3A = tpu.sem_alloc : memref<!tpu.dma_semaphore, #tpu.memory_space<semaphore_mem>>
      %dma_start3A_70 = arith.constant 0 : i32
      %dma_start3A_71 = tpu.memref_slice %arg3[%dma_start3A_70] : memref<1024xi32, #tpu.memory_space<hbm>> -> memref<16xi32, #tpu.memory_space<hbm>>
      %dma_start3A_72 = arith.constant 0 : i32
      %dma_start3A_73 = tpu.memref_slice %arg3[%dma_start3A_72] : memref<1024xi32, #tpu.memory_space<hbm>> -> memref<16xi32, #tpu.memory_space<hbm>>
      tpu.enqueue_dma source(%dma_start3A_73 : memref<16xi32, #tpu.memory_space<hbm>>) target(%arg10 : memref<16xi32, #tpu.memory_space<vmem>>) target_semaphore(%run_scoped3A : memref<!tpu.dma_semaphore, #tpu.memory_space<semaphore_mem>>)
      %dma_wait3A_74 = arith.constant 0 : i32
      %dma_wait3A_75 = tpu.memref_slice %arg3[%dma_wait3A_74] : memref<1024xi32, #tpu.memory_space<hbm>> -> memref<16xi32, #tpu.memory_space<hbm>>
      %dma_wait3A_76 = arith.constant 0 : i32
      %dma_wait3A_77 = tpu.memref_slice %arg3[%dma_wait3A_76] : memref<1024xi32, #tpu.memory_space<hbm>> -> memref<16xi32, #tpu.memory_space<hbm>>
      tpu.wait_dma2 semaphore(%run_scoped3A : memref<!tpu.dma_semaphore, #tpu.memory_space<semaphore_mem>>) src(%dma_wait3A_77 : memref<16xi32, #tpu.memory_space<hbm>>) dst(%arg10 : memref<16xi32, #tpu.memory_space<vmem>>)
      tpu.yield
    }) : () -> ()
    %get3A = arith.constant 0 : index
    %get3A_51 = tpu.vector_load %arg10[%get3A] {strides = array<i32>} : memref<16xi32, #tpu.memory_space<vmem>>, vector<16xi32>,
    %scan3A_52 = arith.constant 0 : i32
    %scan3A_53 = arith.constant 4 : i32
    %scan3A_54 = arith.addi %scan3A_52, %scan3A_53 : i32
    %scan3A_55 = arith.constant 1 : i32
    scf.for %scan3A_70 = %scan3A_52 to %scan3A_54 step %scan3A_55  : i32 {
      %mul3A_71 = arith.constant 1 : i32
      %mul3A_72 = arith.muli %scan3A_70, %mul3A_71 : i32
      %add3A_73 = arith.constant 0 : i32
      %add3A_74 = arith.addi %add3A_73, %mul3A_72 : i32
      %mul3A_75 = arith.constant 2 : i32
      %mul3A_76 = arith.muli %mul3A_75, %add3A_74 : i32
      %mul3A_77 = arith.constant 8 : i32
      %mul3A_78 = arith.muli %select_n3A, %mul3A_77 : i32
      %add3A_79 = arith.constant 0 : i32
      %add3A_80 = arith.addi %mul3A_35, %add3A_79 : i32
      %dma_wait3A_81 = tpu.memref_slice %arg2[%mul3A_78, %add3A_80] : memref<128x32768xf32, #tpu.memory_space<hbm>> -> memref<8x2048xf32, #tpu.memory_space<hbm>>
      %dma_wait3A_82 = tpu.memref_slice %arg2[%mul3A_78, %add3A_80] : memref<128x32768xf32, #tpu.memory_space<hbm>> -> memref<8x2048xf32, #tpu.memory_space<hbm>>
      tpu.wait_dma2 semaphore(%arg7 : memref<!tpu.dma_semaphore, #tpu.memory_space<semaphore_mem>>) src(%dma_wait3A_82 : memref<8x2048xf32, #tpu.memory_space<hbm>>) dst(%arg5 : memref<8x2048xf32, #tpu.memory_space<vmem>>)
      %parallel_loop3A = arith.constant 0 : i32
      %parallel_loop3A_83 = arith.constant 1024 : i32
      %parallel_loop3A_84 = arith.constant 1 : i32
      scf.for %parallel_loop3A_115 = %parallel_loop3A to %parallel_loop3A_83 step %parallel_loop3A_84  : i32 {
        %parallel_loop3A_116 = arith.constant 7 : i32
        %parallel_loop3A_117 = arith.shrui %parallel_loop3A_115, %parallel_loop3A_116 : i32
        %parallel_loop3A_118 = arith.constant 127 : i32
        %parallel_loop3A_119 = arith.andi %parallel_loop3A_115, %parallel_loop3A_118 : i32
        %parallel_loop3A_120 = arith.constant 4 : i32
        %parallel_loop3A_121 = arith.shli %parallel_loop3A_119, %parallel_loop3A_120 : i32
        %parallel_loop3A_122 = arith.index_cast %parallel_loop3A_117 : i32 to index
        %parallel_loop3A_123 = arith.index_cast %parallel_loop3A_121 : i32 to index
        %parallel_loop3A_124 = tpu.vector_load %arg5[%parallel_loop3A_122, %parallel_loop3A_123] {strides = array<i32>} : memref<8x2048xf32, #tpu.memory_space<vmem>>, vector<16xf32>,
        %parallel_loop3A_125 = tpu.bitcast %parallel_loop3A_124 : vector<16xf32> -> vector<16xi32>
        %parallel_loop3A_126 = arith.constant 31 : i32
        %parallel_loop3A_127 = vector.broadcast %parallel_loop3A_126 : i32 to vector<16xi32>
        %parallel_loop3A_128 = arith.shrsi %parallel_loop3A_125, %parallel_loop3A_127 : vector<16xi32>
        %parallel_loop3A_129 = arith.constant -2147483648 : i32
        %parallel_loop3A_130 = vector.broadcast %parallel_loop3A_129 : i32 to vector<16xi32>
        %parallel_loop3A_131 = arith.ori %parallel_loop3A_128, %parallel_loop3A_130 : vector<16xi32>
        %parallel_loop3A_132 = arith.xori %parallel_loop3A_125, %parallel_loop3A_131 : vector<16xi32>
        %parallel_loop3A_133 = arith.constant 16 : i32
        %parallel_loop3A_134 = vector.broadcast %parallel_loop3A_133 : i32 to vector<16xi32>
        %parallel_loop3A_135 = arith.shrui %parallel_loop3A_132, %parallel_loop3A_134 : vector<16xi32>
        %parallel_loop3A_136 = arith.andi %parallel_loop3A_132, %broadcast_in_dim3A_3 : vector<16xi32>
        %parallel_loop3A_137 = arith.cmpi eq, %parallel_loop3A_135, %get3A_51 : vector<16xi32>
        %parallel_loop3A_138, %parallel_loop3A_139 = tpu.scan_count mask(%parallel_loop3A_137 : vector<16xi1>) value(%parallel_loop3A_136 : vector<16xi32>) : vector<16xi1>, vector<16xi32>
        tpu.vector_store_idx %arg9[%parallel_loop3A_136], %parallel_loop3A_139 masked %parallel_loop3A_138 {add = true} : memref<65536xi32, #tpu.memory_space<vmem>>[vector<16xi32>], vector<16xi32>, vector<16xi1>
      } {sc.loop_unroll_factor = 8 : i64, sc.parallel_access}
      %add3A_85 = arith.constant 2 : i32
      %add3A_86 = arith.addi %mul3A_76, %add3A_85 : i32
      %min3A = arith.constant 7 : i32
      %min3A_87 = arith.minsi %add3A_86, %min3A : i32
      %mul3A_88 = arith.constant 8 : i32
      %mul3A_89 = arith.muli %select_n3A, %mul3A_88 : i32
      %mul3A_90 = arith.constant 2048 : i32
      %mul3A_91 = arith.muli %min3A_87, %mul3A_90 : i32
      %add3A_92 = arith.addi %mul3A_35, %mul3A_91 : i32
      %dma_start3A_93 = tpu.memref_slice %arg2[%mul3A_89, %add3A_92] : memref<128x32768xf32, #tpu.memory_space<hbm>> -> memref<8x2048xf32, #tpu.memory_space<hbm>>
      %dma_start3A_94 = tpu.memref_slice %arg2[%mul3A_89, %add3A_92] : memref<128x32768xf32, #tpu.memory_space<hbm>> -> memref<8x2048xf32, #tpu.memory_space<hbm>>
      tpu.enqueue_dma source(%dma_start3A_94 : memref<8x2048xf32, #tpu.memory_space<hbm>>) target(%arg5 : memref<8x2048xf32, #tpu.memory_space<vmem>>) target_semaphore(%arg7 : memref<!tpu.dma_semaphore, #tpu.memory_space<semaphore_mem>>)
      %mul3A_95 = arith.constant 8 : i32
      %mul3A_96 = arith.muli %select_n3A, %mul3A_95 : i32
      %add3A_97 = arith.constant 0 : i32
      %add3A_98 = arith.addi %mul3A_35, %add3A_97 : i32
      %dma_wait3A_99 = tpu.memref_slice %arg2[%mul3A_96, %add3A_98] : memref<128x32768xf32, #tpu.memory_space<hbm>> -> memref<8x2048xf32, #tpu.memory_space<hbm>>
      %dma_wait3A_100 = tpu.memref_slice %arg2[%mul3A_96, %add3A_98] : memref<128x32768xf32, #tpu.memory_space<hbm>> -> memref<8x2048xf32, #tpu.memory_space<hbm>>
      tpu.wait_dma2 semaphore(%arg8 : memref<!tpu.dma_semaphore, #tpu.memory_space<semaphore_mem>>) src(%dma_wait3A_100 : memref<8x2048xf32, #tpu.memory_space<hbm>>) dst(%arg6 : memref<8x2048xf32, #tpu.memory_space<vmem>>)
      %parallel_loop3A_101 = arith.constant 0 : i32
      %parallel_loop3A_102 = arith.constant 1024 : i32
      %parallel_loop3A_103 = arith.constant 1 : i32
      scf.for %parallel_loop3A_115 = %parallel_loop3A_101 to %parallel_loop3A_102 step %parallel_loop3A_103  : i32 {
        %parallel_loop3A_116 = arith.constant 7 : i32
        %parallel_loop3A_117 = arith.shrui %parallel_loop3A_115, %parallel_loop3A_116 : i32
        %parallel_loop3A_118 = arith.constant 127 : i32
        %parallel_loop3A_119 = arith.andi %parallel_loop3A_115, %parallel_loop3A_118 : i32
        %parallel_loop3A_120 = arith.constant 4 : i32
        %parallel_loop3A_121 = arith.shli %parallel_loop3A_119, %parallel_loop3A_120 : i32
        %parallel_loop3A_122 = arith.index_cast %parallel_loop3A_117 : i32 to index
        %parallel_loop3A_123 = arith.index_cast %parallel_loop3A_121 : i32 to index
        %parallel_loop3A_124 = tpu.vector_load %arg6[%parallel_loop3A_122, %parallel_loop3A_123] {strides = array<i32>} : memref<8x2048xf32, #tpu.memory_space<vmem>>, vector<16xf32>,
        %parallel_loop3A_125 = tpu.bitcast %parallel_loop3A_124 : vector<16xf32> -> vector<16xi32>
        %parallel_loop3A_126 = arith.constant 31 : i32
        %parallel_loop3A_127 = vector.broadcast %parallel_loop3A_126 : i32 to vector<16xi32>
        %parallel_loop3A_128 = arith.shrsi %parallel_loop3A_125, %parallel_loop3A_127 : vector<16xi32>
        %parallel_loop3A_129 = arith.constant -2147483648 : i32
        %parallel_loop3A_130 = vector.broadcast %parallel_loop3A_129 : i32 to vector<16xi32>
        %parallel_loop3A_131 = arith.ori %parallel_loop3A_128, %parallel_loop3A_130 : vector<16xi32>
        %parallel_loop3A_132 = arith.xori %parallel_loop3A_125, %parallel_loop3A_131 : vector<16xi32>
        %parallel_loop3A_133 = arith.constant 16 : i32
        %parallel_loop3A_134 = vector.broadcast %parallel_loop3A_133 : i32 to vector<16xi32>
        %parallel_loop3A_135 = arith.shrui %parallel_loop3A_132, %parallel_loop3A_134 : vector<16xi32>
        %parallel_loop3A_136 = arith.andi %parallel_loop3A_132, %broadcast_in_dim3A_3 : vector<16xi32>
        %parallel_loop3A_137 = arith.cmpi eq, %parallel_loop3A_135, %get3A_51 : vector<16xi32>
        %parallel_loop3A_138, %parallel_loop3A_139 = tpu.scan_count mask(%parallel_loop3A_137 : vector<16xi1>) value(%parallel_loop3A_136 : vector<16xi32>) : vector<16xi1>, vector<16xi32>
        tpu.vector_store_idx %arg9[%parallel_loop3A_136], %parallel_loop3A_139 masked %parallel_loop3A_138 {add = true} : memref<65536xi32, #tpu.memory_space<vmem>>[vector<16xi32>], vector<16xi32>, vector<16xi1>
      } {sc.loop_unroll_factor = 8 : i64, sc.parallel_access}
      %add3A_104 = arith.constant 3 : i32
      %add3A_105 = arith.addi %mul3A_76, %add3A_104 : i32
      %min3A_106 = arith.constant 7 : i32
      %min3A_107 = arith.minsi %add3A_105, %min3A_106 : i32
      %mul3A_108 = arith.constant 8 : i32
      %mul3A_109 = arith.muli %select_n3A, %mul3A_108 : i32
      %mul3A_110 = arith.constant 2048 : i32
      %mul3A_111 = arith.muli %min3A_107, %mul3A_110 : i32
      %add3A_112 = arith.addi %mul3A_35, %mul3A_111 : i32
      %dma_start3A_113 = tpu.memref_slice %arg2[%mul3A_109, %add3A_112] : memref<128x32768xf32, #tpu.memory_space<hbm>> -> memref<8x2048xf32, #tpu.memory_space<hbm>>
      %dma_start3A_114 = tpu.memref_slice %arg2[%mul3A_109, %add3A_112] : memref<128x32768xf32, #tpu.memory_space<hbm>> -> memref<8x2048xf32, #tpu.memory_space<hbm>>
      tpu.enqueue_dma source(%dma_start3A_114 : memref<8x2048xf32, #tpu.memory_space<hbm>>) target(%arg6 : memref<8x2048xf32, #tpu.memory_space<vmem>>) target_semaphore(%arg8 : memref<!tpu.dma_semaphore, #tpu.memory_space<semaphore_mem>>)
    }
    %scan3A_56 = arith.constant 4 : i32
    %mul3A_57 = arith.constant 8 : i32
    %mul3A_58 = arith.muli %select_n3A, %mul3A_57 : i32
    %add3A_59 = arith.constant 0 : i32
    %add3A_60 = arith.addi %mul3A_35, %add3A_59 : i32
    %dma_wait3A = tpu.memref_slice %arg2[%mul3A_58, %add3A_60] : memref<128x32768xf32, #tpu.memory_space<hbm>> -> memref<8x2048xf32, #tpu.memory_space<hbm>>
    %dma_wait3A_61 = tpu.memref_slice %arg2[%mul3A_58, %add3A_60] : memref<128x32768xf32, #tpu.memory_space<hbm>> -> memref<8x2048xf32, #tpu.memory_space<hbm>>
    tpu.wait_dma2 semaphore(%arg7 : memref<!tpu.dma_semaphore, #tpu.memory_space<semaphore_mem>>) src(%dma_wait3A_61 : memref<8x2048xf32, #tpu.memory_space<hbm>>) dst(%arg5 : memref<8x2048xf32, #tpu.memory_space<vmem>>)
    %mul3A_62 = arith.constant 8 : i32
    %mul3A_63 = arith.muli %select_n3A, %mul3A_62 : i32
    %add3A_64 = arith.constant 0 : i32
    %add3A_65 = arith.addi %mul3A_35, %add3A_64 : i32
    %dma_wait3A_66 = tpu.memref_slice %arg2[%mul3A_63, %add3A_65] : memref<128x32768xf32, #tpu.memory_space<hbm>> -> memref<8x2048xf32, #tpu.memory_space<hbm>>
    %dma_wait3A_67 = tpu.memref_slice %arg2[%mul3A_63, %add3A_65] : memref<128x32768xf32, #tpu.memory_space<hbm>> -> memref<8x2048xf32, #tpu.memory_space<hbm>>
    tpu.wait_dma2 semaphore(%arg8 : memref<!tpu.dma_semaphore, #tpu.memory_space<semaphore_mem>>) src(%dma_wait3A_67 : memref<8x2048xf32, #tpu.memory_space<hbm>>) dst(%arg6 : memref<8x2048xf32, #tpu.memory_space<vmem>>)
    %mul3A_68 = arith.constant 65536 : i32
    %mul3A_69 = arith.muli %add3A, %mul3A_68 : i32
    "tpu.region"() ({
      %run_scoped3A = tpu.sem_alloc : memref<!tpu.dma_semaphore, #tpu.memory_space<semaphore_mem>>
      %dma_start3A_70 = tpu.memref_slice %arg4[%mul3A_69] : memref<2097152xi32, #tpu.memory_space<hbm>> -> memref<65536xi32, #tpu.memory_space<hbm>>
      %dma_start3A_71 = tpu.memref_slice %arg4[%mul3A_69] : memref<2097152xi32, #tpu.memory_space<hbm>> -> memref<65536xi32, #tpu.memory_space<hbm>>
      tpu.enqueue_dma source(%arg9 : memref<65536xi32, #tpu.memory_space<vmem>>) target(%dma_start3A_71 : memref<65536xi32, #tpu.memory_space<hbm>>) target_semaphore(%run_scoped3A : memref<!tpu.dma_semaphore, #tpu.memory_space<semaphore_mem>>)
      %dma_wait3A_72 = tpu.memref_slice %arg4[%mul3A_69] : memref<2097152xi32, #tpu.memory_space<hbm>> -> memref<65536xi32, #tpu.memory_space<hbm>>
      %dma_wait3A_73 = tpu.memref_slice %arg4[%mul3A_69] : memref<2097152xi32, #tpu.memory_space<hbm>> -> memref<65536xi32, #tpu.memory_space<hbm>>
      tpu.wait_dma2 semaphore(%run_scoped3A : memref<!tpu.dma_semaphore, #tpu.memory_space<semaphore_mem>>) src(%arg9 : memref<65536xi32, #tpu.memory_space<vmem>>) dst(%dma_wait3A_73 : memref<65536xi32, #tpu.memory_space<hbm>>)
      tpu.yield
    }) : () -> ()
    return
  }
}

#map = affine_map<(d0, d1) -> (0, 0)>
#map1 = affine_map<(d0, d1) -> (0)>
module attributes {stable_mosaic.version = 14 : i64} {
  func.func @_sc_hist_hi(%arg0: i32, %arg1: i32, %arg2: memref<128x32768xf32, #tpu.memory_space<hbm>>, %arg3: memref<2097152xi32, #tpu.memory_space<hbm>>, %arg4: memref<8x2048xf32, #tpu.memory_space<vmem>>, %arg5: memref<8x2048xf32, #tpu.memory_space<vmem>>, %arg6: memref<!tpu.dma_semaphore, #tpu.memory_space<semaphore_mem>>, %arg7: memref<!tpu.dma_semaphore, #tpu.memory_space<semaphore_mem>>, %arg8: memref<65536xi32, #tpu.memory_space<vmem>>) attributes {dimension_semantics = [#tpu.dimension_semantics<core_parallel>, #tpu.dimension_semantics<subcore_parallel>], iteration_bounds = array<i64: 2, 16>, scalar_prefetch = 0 : i64, scratch_operands = 5 : i64, tpu.core_type = #tpu.core_type<sc_vector_subcore>, window_params = [{transform_indices = #map}, {transform_indices = #map1}]} {
    %mul3A = arith.constant 2 : i32
    %mul3A_0 = arith.muli %arg1, %mul3A : i32
    %add3A = arith.addi %mul3A_0, %arg0 : i32
    %broadcast_in_dim3A = arith.constant 0 : i32
    %broadcast_in_dim3A_1 = vector.broadcast %broadcast_in_dim3A : i32 to vector<16xi32>
    %broadcast_in_dim3A_2 = arith.constant 65535 : i32
    %broadcast_in_dim3A_3 = vector.broadcast %broadcast_in_dim3A_2 : i32 to vector<16xi32>
    %jit3A = arith.constant 2 : i32
    %div3A = arith.divsi %add3A, %jit3A : i32
    %sign3A = arith.constant 0 : i32
    %sign3A_4 = arith.cmpi sgt, %add3A, %sign3A : i32
    %sign3A_5 = arith.extui %sign3A_4 : i1 to i32
    %sign3A_6 = arith.constant 0 : i32
    %sign3A_7 = arith.cmpi slt, %add3A, %sign3A_6 : i32
    %sign3A_8 = arith.extui %sign3A_7 : i1 to i32
    %sign3A_9 = arith.subi %sign3A_5, %sign3A_8 : i32
    %sign3A_10 = arith.constant 0 : i32
    %sign3A_11 = arith.cmpi sgt, %jit3A, %sign3A_10 : i32
    %sign3A_12 = arith.extui %sign3A_11 : i1 to i32
    %sign3A_13 = arith.constant 0 : i32
    %sign3A_14 = arith.cmpi slt, %jit3A, %sign3A_13 : i32
    %sign3A_15 = arith.extui %sign3A_14 : i1 to i32
    %sign3A_16 = arith.subi %sign3A_12, %sign3A_15 : i32
    %ne3A = arith.cmpi ne, %sign3A_9, %sign3A_16 : i32
    %rem3A = arith.remsi %add3A, %jit3A : i32
    %ne3A_17 = arith.constant 0 : i32
    %ne3A_18 = arith.cmpi ne, %rem3A, %ne3A_17 : i32
    %and3A = arith.andi %ne3A, %ne3A_18 : i1
    %sub3A = arith.constant 1 : i32
    %sub3A_19 = arith.subi %div3A, %sub3A : i32
    %select_n3A = arith.select %and3A, %sub3A_19, %div3A : i32
    %jit3A_20 = arith.constant 2 : i32
    %eq3A = arith.constant 0 : i32
    %eq3A_21 = arith.cmpi eq, %jit3A_20, %eq3A : i32
    %jit3A_22 = arith.constant 1 : i32
    %select_n3A_23 = arith.select %eq3A_21, %jit3A_22, %jit3A_20 : i32
    %rem3A_24 = arith.remsi %add3A, %select_n3A_23 : i32
    %ne3A_25 = arith.constant 0 : i32
    %ne3A_26 = arith.cmpi ne, %rem3A_24, %ne3A_25 : i32
    %lt3A = arith.constant 0 : i32
    %lt3A_27 = arith.cmpi slt, %rem3A_24, %lt3A : i32
    %lt3A_28 = arith.constant 0 : i32
    %lt3A_29 = arith.cmpi slt, %select_n3A_23, %lt3A_28 : i32
    %ne3A_30 = arith.xori %lt3A_27, %lt3A_29 : i1
    %and3A_31 = arith.andi %ne3A_30, %ne3A_26 : i1
    %add3A_32 = arith.addi %rem3A_24, %select_n3A_23 : i32
    %select_n3A_33 = arith.select %and3A_31, %add3A_32, %rem3A_24 : i32
    %mul3A_34 = arith.constant 16384 : i32
    %mul3A_35 = arith.muli %select_n3A_33, %mul3A_34 : i32
    %mul3A_36 = arith.constant 8 : i32
    %mul3A_37 = arith.muli %select_n3A, %mul3A_36 : i32
    %add3A_38 = arith.constant 0 : i32
    %add3A_39 = arith.addi %mul3A_35, %add3A_38 : i32
    %dma_start3A = tpu.memref_slice %arg2[%mul3A_37, %add3A_39] : memref<128x32768xf32, #tpu.memory_space<hbm>> -> memref<8x2048xf32, #tpu.memory_space<hbm>>
    %dma_start3A_40 = tpu.memref_slice %arg2[%mul3A_37, %add3A_39] : memref<128x32768xf32, #tpu.memory_space<hbm>> -> memref<8x2048xf32, #tpu.memory_space<hbm>>
    tpu.enqueue_dma source(%dma_start3A_40 : memref<8x2048xf32, #tpu.memory_space<hbm>>) target(%arg4 : memref<8x2048xf32, #tpu.memory_space<vmem>>) target_semaphore(%arg6 : memref<!tpu.dma_semaphore, #tpu.memory_space<semaphore_mem>>)
    %mul3A_41 = arith.constant 8 : i32
    %mul3A_42 = arith.muli %select_n3A, %mul3A_41 : i32
    %add3A_43 = arith.constant 2048 : i32
    %add3A_44 = arith.addi %mul3A_35, %add3A_43 : i32
    %dma_start3A_45 = tpu.memref_slice %arg2[%mul3A_42, %add3A_44] : memref<128x32768xf32, #tpu.memory_space<hbm>> -> memref<8x2048xf32, #tpu.memory_space<hbm>>
    %dma_start3A_46 = tpu.memref_slice %arg2[%mul3A_42, %add3A_44] : memref<128x32768xf32, #tpu.memory_space<hbm>> -> memref<8x2048xf32, #tpu.memory_space<hbm>>
    tpu.enqueue_dma source(%dma_start3A_46 : memref<8x2048xf32, #tpu.memory_space<hbm>>) target(%arg5 : memref<8x2048xf32, #tpu.memory_space<vmem>>) target_semaphore(%arg7 : memref<!tpu.dma_semaphore, #tpu.memory_space<semaphore_mem>>)
    %scan3A = arith.constant 0 : i32
    %scan3A_47 = arith.constant 4096 : i32
    %scan3A_48 = arith.addi %scan3A, %scan3A_47 : i32
    %scan3A_49 = arith.constant 8 : i32
    scf.for %scan3A_69 = %scan3A to %scan3A_48 step %scan3A_49  : i32 {
      %mul3A_70 = arith.constant 1 : i32
      %mul3A_71 = arith.muli %scan3A_69, %mul3A_70 : i32
      %add3A_72 = arith.constant 0 : i32
      %add3A_73 = arith.addi %add3A_72, %mul3A_71 : i32
      %mul3A_74 = arith.constant 16 : i32
      %mul3A_75 = arith.muli %add3A_73, %mul3A_74 : i32
      %swap3A = arith.index_cast %mul3A_75 : i32 to index
      %swap3A_76 = tpu.vector_load %arg8[%swap3A] {strides = array<i32>} : memref<65536xi32, #tpu.memory_space<vmem>>, vector<16xi32>,
      tpu.vector_store %arg8[%swap3A], %broadcast_in_dim3A_1 {strides = array<i32>} : memref<65536xi32, #tpu.memory_space<vmem>>, vector<16xi32>,
      %scan3A_77 = arith.constant 1 : i32
      %scan3A_78 = arith.addi %scan3A_69, %scan3A_77 : i32
      %mul3A_79 = arith.constant 1 : i32
      %mul3A_80 = arith.muli %scan3A_78, %mul3A_79 : i32
      %add3A_81 = arith.constant 0 : i32
      %add3A_82 = arith.addi %add3A_81, %mul3A_80 : i32
      %mul3A_83 = arith.constant 16 : i32
      %mul3A_84 = arith.muli %add3A_82, %mul3A_83 : i32
      %swap3A_85 = arith.index_cast %mul3A_84 : i32 to index
      %swap3A_86 = tpu.vector_load %arg8[%swap3A_85] {strides = array<i32>} : memref<65536xi32, #tpu.memory_space<vmem>>, vector<16xi32>,
      tpu.vector_store %arg8[%swap3A_85], %broadcast_in_dim3A_1 {strides = array<i32>} : memref<65536xi32, #tpu.memory_space<vmem>>, vector<16xi32>,
      %scan3A_87 = arith.constant 2 : i32
      %scan3A_88 = arith.addi %scan3A_69, %scan3A_87 : i32
      %mul3A_89 = arith.constant 1 : i32
      %mul3A_90 = arith.muli %scan3A_88, %mul3A_89 : i32
      %add3A_91 = arith.constant 0 : i32
      %add3A_92 = arith.addi %add3A_91, %mul3A_90 : i32
      %mul3A_93 = arith.constant 16 : i32
      %mul3A_94 = arith.muli %add3A_92, %mul3A_93 : i32
      %swap3A_95 = arith.index_cast %mul3A_94 : i32 to index
      %swap3A_96 = tpu.vector_load %arg8[%swap3A_95] {strides = array<i32>} : memref<65536xi32, #tpu.memory_space<vmem>>, vector<16xi32>,
      tpu.vector_store %arg8[%swap3A_95], %broadcast_in_dim3A_1 {strides = array<i32>} : memref<65536xi32, #tpu.memory_space<vmem>>, vector<16xi32>,
      %scan3A_97 = arith.constant 3 : i32
      %scan3A_98 = arith.addi %scan3A_69, %scan3A_97 : i32
      %mul3A_99 = arith.constant 1 : i32
      %mul3A_100 = arith.muli %scan3A_98, %mul3A_99 : i32
      %add3A_101 = arith.constant 0 : i32
      %add3A_102 = arith.addi %add3A_101, %mul3A_100 : i32
      %mul3A_103 = arith.constant 16 : i32
      %mul3A_104 = arith.muli %add3A_102, %mul3A_103 : i32
      %swap3A_105 = arith.index_cast %mul3A_104 : i32 to index
      %swap3A_106 = tpu.vector_load %arg8[%swap3A_105] {strides = array<i32>} : memref<65536xi32, #tpu.memory_space<vmem>>, vector<16xi32>,
      tpu.vector_store %arg8[%swap3A_105], %broadcast_in_dim3A_1 {strides = array<i32>} : memref<65536xi32, #tpu.memory_space<vmem>>, vector<16xi32>,
      %scan3A_107 = arith.constant 4 : i32
      %scan3A_108 = arith.addi %scan3A_69, %scan3A_107 : i32
      %mul3A_109 = arith.constant 1 : i32
      %mul3A_110 = arith.muli %scan3A_108, %mul3A_109 : i32
      %add3A_111 = arith.constant 0 : i32
      %add3A_112 = arith.addi %add3A_111, %mul3A_110 : i32
      %mul3A_113 = arith.constant 16 : i32
      %mul3A_114 = arith.muli %add3A_112, %mul3A_113 : i32
      %swap3A_115 = arith.index_cast %mul3A_114 : i32 to index
      %swap3A_116 = tpu.vector_load %arg8[%swap3A_115] {strides = array<i32>} : memref<65536xi32, #tpu.memory_space<vmem>>, vector<16xi32>,
      tpu.vector_store %arg8[%swap3A_115], %broadcast_in_dim3A_1 {strides = array<i32>} : memref<65536xi32, #tpu.memory_space<vmem>>, vector<16xi32>,
      %scan3A_117 = arith.constant 5 : i32
      %scan3A_118 = arith.addi %scan3A_69, %scan3A_117 : i32
      %mul3A_119 = arith.constant 1 : i32
      %mul3A_120 = arith.muli %scan3A_118, %mul3A_119 : i32
      %add3A_121 = arith.constant 0 : i32
      %add3A_122 = arith.addi %add3A_121, %mul3A_120 : i32
      %mul3A_123 = arith.constant 16 : i32
      %mul3A_124 = arith.muli %add3A_122, %mul3A_123 : i32
      %swap3A_125 = arith.index_cast %mul3A_124 : i32 to index
      %swap3A_126 = tpu.vector_load %arg8[%swap3A_125] {strides = array<i32>} : memref<65536xi32, #tpu.memory_space<vmem>>, vector<16xi32>,
      tpu.vector_store %arg8[%swap3A_125], %broadcast_in_dim3A_1 {strides = array<i32>} : memref<65536xi32, #tpu.memory_space<vmem>>, vector<16xi32>,
      %scan3A_127 = arith.constant 6 : i32
      %scan3A_128 = arith.addi %scan3A_69, %scan3A_127 : i32
      %mul3A_129 = arith.constant 1 : i32
      %mul3A_130 = arith.muli %scan3A_128, %mul3A_129 : i32
      %add3A_131 = arith.constant 0 : i32
      %add3A_132 = arith.addi %add3A_131, %mul3A_130 : i32
      %mul3A_133 = arith.constant 16 : i32
      %mul3A_134 = arith.muli %add3A_132, %mul3A_133 : i32
      %swap3A_135 = arith.index_cast %mul3A_134 : i32 to index
      %swap3A_136 = tpu.vector_load %arg8[%swap3A_135] {strides = array<i32>} : memref<65536xi32, #tpu.memory_space<vmem>>, vector<16xi32>,
      tpu.vector_store %arg8[%swap3A_135], %broadcast_in_dim3A_1 {strides = array<i32>} : memref<65536xi32, #tpu.memory_space<vmem>>, vector<16xi32>,
      %scan3A_137 = arith.constant 7 : i32
      %scan3A_138 = arith.addi %scan3A_69, %scan3A_137 : i32
      %mul3A_139 = arith.constant 1 : i32
      %mul3A_140 = arith.muli %scan3A_138, %mul3A_139 : i32
      %add3A_141 = arith.constant 0 : i32
      %add3A_142 = arith.addi %add3A_141, %mul3A_140 : i32
      %mul3A_143 = arith.constant 16 : i32
      %mul3A_144 = arith.muli %add3A_142, %mul3A_143 : i32
      %swap3A_145 = arith.index_cast %mul3A_144 : i32 to index
      %swap3A_146 = tpu.vector_load %arg8[%swap3A_145] {strides = array<i32>} : memref<65536xi32, #tpu.memory_space<vmem>>, vector<16xi32>,
      tpu.vector_store %arg8[%swap3A_145], %broadcast_in_dim3A_1 {strides = array<i32>} : memref<65536xi32, #tpu.memory_space<vmem>>, vector<16xi32>,
    }
    %scan3A_50 = arith.constant 4096 : i32
    %scan3A_51 = arith.constant 0 : i32
    %scan3A_52 = arith.constant 4 : i32
    %scan3A_53 = arith.addi %scan3A_51, %scan3A_52 : i32
    %scan3A_54 = arith.constant 1 : i32
    scf.for %scan3A_69 = %scan3A_51 to %scan3A_53 step %scan3A_54  : i32 {
      %mul3A_70 = arith.constant 1 : i32
      %mul3A_71 = arith.muli %scan3A_69, %mul3A_70 : i32
      %add3A_72 = arith.constant 0 : i32
      %add3A_73 = arith.addi %add3A_72, %mul3A_71 : i32
      %mul3A_74 = arith.constant 2 : i32
      %mul3A_75 = arith.muli %mul3A_74, %add3A_73 : i32
      %mul3A_76 = arith.constant 8 : i32
      %mul3A_77 = arith.muli %select_n3A, %mul3A_76 : i32
      %add3A_78 = arith.constant 0 : i32
      %add3A_79 = arith.addi %mul3A_35, %add3A_78 : i32
      %dma_wait3A_80 = tpu.memref_slice %arg2[%mul3A_77, %add3A_79] : memref<128x32768xf32, #tpu.memory_space<hbm>> -> memref<8x2048xf32, #tpu.memory_space<hbm>>
      %dma_wait3A_81 = tpu.memref_slice %arg2[%mul3A_77, %add3A_79] : memref<128x32768xf32, #tpu.memory_space<hbm>> -> memref<8x2048xf32, #tpu.memory_space<hbm>>
      tpu.wait_dma2 semaphore(%arg6 : memref<!tpu.dma_semaphore, #tpu.memory_space<semaphore_mem>>) src(%dma_wait3A_81 : memref<8x2048xf32, #tpu.memory_space<hbm>>) dst(%arg4 : memref<8x2048xf32, #tpu.memory_space<vmem>>)
      %parallel_loop3A = arith.constant 0 : i32
      %parallel_loop3A_82 = arith.constant 1024 : i32
      %parallel_loop3A_83 = arith.constant 1 : i32
      scf.for %parallel_loop3A_114 = %parallel_loop3A to %parallel_loop3A_82 step %parallel_loop3A_83  : i32 {
        %parallel_loop3A_115 = arith.constant 7 : i32
        %parallel_loop3A_116 = arith.shrui %parallel_loop3A_114, %parallel_loop3A_115 : i32
        %parallel_loop3A_117 = arith.constant 127 : i32
        %parallel_loop3A_118 = arith.andi %parallel_loop3A_114, %parallel_loop3A_117 : i32
        %parallel_loop3A_119 = arith.constant 4 : i32
        %parallel_loop3A_120 = arith.shli %parallel_loop3A_118, %parallel_loop3A_119 : i32
        %parallel_loop3A_121 = arith.index_cast %parallel_loop3A_116 : i32 to index
        %parallel_loop3A_122 = arith.index_cast %parallel_loop3A_120 : i32 to index
        %parallel_loop3A_123 = tpu.vector_load %arg4[%parallel_loop3A_121, %parallel_loop3A_122] {strides = array<i32>} : memref<8x2048xf32, #tpu.memory_space<vmem>>, vector<16xf32>,
        %parallel_loop3A_124 = tpu.bitcast %parallel_loop3A_123 : vector<16xf32> -> vector<16xi32>
        %parallel_loop3A_125 = arith.constant 31 : i32
        %parallel_loop3A_126 = vector.broadcast %parallel_loop3A_125 : i32 to vector<16xi32>
        %parallel_loop3A_127 = arith.shrsi %parallel_loop3A_124, %parallel_loop3A_126 : vector<16xi32>
        %parallel_loop3A_128 = arith.constant -2147483648 : i32
        %parallel_loop3A_129 = vector.broadcast %parallel_loop3A_128 : i32 to vector<16xi32>
        %parallel_loop3A_130 = arith.ori %parallel_loop3A_127, %parallel_loop3A_129 : vector<16xi32>
        %parallel_loop3A_131 = arith.xori %parallel_loop3A_124, %parallel_loop3A_130 : vector<16xi32>
        %parallel_loop3A_132 = arith.constant 16 : i32
        %parallel_loop3A_133 = vector.broadcast %parallel_loop3A_132 : i32 to vector<16xi32>
        %parallel_loop3A_134 = arith.shrui %parallel_loop3A_131, %parallel_loop3A_133 : vector<16xi32>
        %parallel_loop3A_135 = arith.constant true
        %parallel_loop3A_136 = vector.broadcast %parallel_loop3A_135 : i1 to vector<16xi1>
        %parallel_loop3A_137, %parallel_loop3A_138 = tpu.scan_count mask(%parallel_loop3A_136 : vector<16xi1>) value(%parallel_loop3A_134 : vector<16xi32>) : vector<16xi1>, vector<16xi32>
        tpu.vector_store_idx %arg8[%parallel_loop3A_134], %parallel_loop3A_138 masked %parallel_loop3A_137 {add = true} : memref<65536xi32, #tpu.memory_space<vmem>>[vector<16xi32>], vector<16xi32>, vector<16xi1>
      } {sc.loop_unroll_factor = 8 : i64, sc.parallel_access}
      %add3A_84 = arith.constant 2 : i32
      %add3A_85 = arith.addi %mul3A_75, %add3A_84 : i32
      %min3A = arith.constant 7 : i32
      %min3A_86 = arith.minsi %add3A_85, %min3A : i32
      %mul3A_87 = arith.constant 8 : i32
      %mul3A_88 = arith.muli %select_n3A, %mul3A_87 : i32
      %mul3A_89 = arith.constant 2048 : i32
      %mul3A_90 = arith.muli %min3A_86, %mul3A_89 : i32
      %add3A_91 = arith.addi %mul3A_35, %mul3A_90 : i32
      %dma_start3A_92 = tpu.memref_slice %arg2[%mul3A_88, %add3A_91] : memref<128x32768xf32, #tpu.memory_space<hbm>> -> memref<8x2048xf32, #tpu.memory_space<hbm>>
      %dma_start3A_93 = tpu.memref_slice %arg2[%mul3A_88, %add3A_91] : memref<128x32768xf32, #tpu.memory_space<hbm>> -> memref<8x2048xf32, #tpu.memory_space<hbm>>
      tpu.enqueue_dma source(%dma_start3A_93 : memref<8x2048xf32, #tpu.memory_space<hbm>>) target(%arg4 : memref<8x2048xf32, #tpu.memory_space<vmem>>) target_semaphore(%arg6 : memref<!tpu.dma_semaphore, #tpu.memory_space<semaphore_mem>>)
      %mul3A_94 = arith.constant 8 : i32
      %mul3A_95 = arith.muli %select_n3A, %mul3A_94 : i32
      %add3A_96 = arith.constant 0 : i32
      %add3A_97 = arith.addi %mul3A_35, %add3A_96 : i32
      %dma_wait3A_98 = tpu.memref_slice %arg2[%mul3A_95, %add3A_97] : memref<128x32768xf32, #tpu.memory_space<hbm>> -> memref<8x2048xf32, #tpu.memory_space<hbm>>
      %dma_wait3A_99 = tpu.memref_slice %arg2[%mul3A_95, %add3A_97] : memref<128x32768xf32, #tpu.memory_space<hbm>> -> memref<8x2048xf32, #tpu.memory_space<hbm>>
      tpu.wait_dma2 semaphore(%arg7 : memref<!tpu.dma_semaphore, #tpu.memory_space<semaphore_mem>>) src(%dma_wait3A_99 : memref<8x2048xf32, #tpu.memory_space<hbm>>) dst(%arg5 : memref<8x2048xf32, #tpu.memory_space<vmem>>)
      %parallel_loop3A_100 = arith.constant 0 : i32
      %parallel_loop3A_101 = arith.constant 1024 : i32
      %parallel_loop3A_102 = arith.constant 1 : i32
      scf.for %parallel_loop3A_114 = %parallel_loop3A_100 to %parallel_loop3A_101 step %parallel_loop3A_102  : i32 {
        %parallel_loop3A_115 = arith.constant 7 : i32
        %parallel_loop3A_116 = arith.shrui %parallel_loop3A_114, %parallel_loop3A_115 : i32
        %parallel_loop3A_117 = arith.constant 127 : i32
        %parallel_loop3A_118 = arith.andi %parallel_loop3A_114, %parallel_loop3A_117 : i32
        %parallel_loop3A_119 = arith.constant 4 : i32
        %parallel_loop3A_120 = arith.shli %parallel_loop3A_118, %parallel_loop3A_119 : i32
        %parallel_loop3A_121 = arith.index_cast %parallel_loop3A_116 : i32 to index
        %parallel_loop3A_122 = arith.index_cast %parallel_loop3A_120 : i32 to index
        %parallel_loop3A_123 = tpu.vector_load %arg5[%parallel_loop3A_121, %parallel_loop3A_122] {strides = array<i32>} : memref<8x2048xf32, #tpu.memory_space<vmem>>, vector<16xf32>,
        %parallel_loop3A_124 = tpu.bitcast %parallel_loop3A_123 : vector<16xf32> -> vector<16xi32>
        %parallel_loop3A_125 = arith.constant 31 : i32
        %parallel_loop3A_126 = vector.broadcast %parallel_loop3A_125 : i32 to vector<16xi32>
        %parallel_loop3A_127 = arith.shrsi %parallel_loop3A_124, %parallel_loop3A_126 : vector<16xi32>
        %parallel_loop3A_128 = arith.constant -2147483648 : i32
        %parallel_loop3A_129 = vector.broadcast %parallel_loop3A_128 : i32 to vector<16xi32>
        %parallel_loop3A_130 = arith.ori %parallel_loop3A_127, %parallel_loop3A_129 : vector<16xi32>
        %parallel_loop3A_131 = arith.xori %parallel_loop3A_124, %parallel_loop3A_130 : vector<16xi32>
        %parallel_loop3A_132 = arith.constant 16 : i32
        %parallel_loop3A_133 = vector.broadcast %parallel_loop3A_132 : i32 to vector<16xi32>
        %parallel_loop3A_134 = arith.shrui %parallel_loop3A_131, %parallel_loop3A_133 : vector<16xi32>
        %parallel_loop3A_135 = arith.constant true
        %parallel_loop3A_136 = vector.broadcast %parallel_loop3A_135 : i1 to vector<16xi1>
        %parallel_loop3A_137, %parallel_loop3A_138 = tpu.scan_count mask(%parallel_loop3A_136 : vector<16xi1>) value(%parallel_loop3A_134 : vector<16xi32>) : vector<16xi1>, vector<16xi32>
        tpu.vector_store_idx %arg8[%parallel_loop3A_134], %parallel_loop3A_138 masked %parallel_loop3A_137 {add = true} : memref<65536xi32, #tpu.memory_space<vmem>>[vector<16xi32>], vector<16xi32>, vector<16xi1>
      } {sc.loop_unroll_factor = 8 : i64, sc.parallel_access}
      %add3A_103 = arith.constant 3 : i32
      %add3A_104 = arith.addi %mul3A_75, %add3A_103 : i32
      %min3A_105 = arith.constant 7 : i32
      %min3A_106 = arith.minsi %add3A_104, %min3A_105 : i32
      %mul3A_107 = arith.constant 8 : i32
      %mul3A_108 = arith.muli %select_n3A, %mul3A_107 : i32
      %mul3A_109 = arith.constant 2048 : i32
      %mul3A_110 = arith.muli %min3A_106, %mul3A_109 : i32
      %add3A_111 = arith.addi %mul3A_35, %mul3A_110 : i32
      %dma_start3A_112 = tpu.memref_slice %arg2[%mul3A_108, %add3A_111] : memref<128x32768xf32, #tpu.memory_space<hbm>> -> memref<8x2048xf32, #tpu.memory_space<hbm>>
      %dma_start3A_113 = tpu.memref_slice %arg2[%mul3A_108, %add3A_111] : memref<128x32768xf32, #tpu.memory_space<hbm>> -> memref<8x2048xf32, #tpu.memory_space<hbm>>
      tpu.enqueue_dma source(%dma_start3A_113 : memref<8x2048xf32, #tpu.memory_space<hbm>>) target(%arg5 : memref<8x2048xf32, #tpu.memory_space<vmem>>) target_semaphore(%arg7 : memref<!tpu.dma_semaphore, #tpu.memory_space<semaphore_mem>>)
    }
    %scan3A_55 = arith.constant 4 : i32
    %mul3A_56 = arith.constant 8 : i32
    %mul3A_57 = arith.muli %select_n3A, %mul3A_56 : i32
    %add3A_58 = arith.constant 0 : i32
    %add3A_59 = arith.addi %mul3A_35, %add3A_58 : i32
    %dma_wait3A = tpu.memref_slice %arg2[%mul3A_57, %add3A_59] : memref<128x32768xf32, #tpu.memory_space<hbm>> -> memref<8x2048xf32, #tpu.memory_space<hbm>>
    %dma_wait3A_60 = tpu.memref_slice %arg2[%mul3A_57, %add3A_59] : memref<128x32768xf32, #tpu.memory_space<hbm>> -> memref<8x2048xf32, #tpu.memory_space<hbm>>
    tpu.wait_dma2 semaphore(%arg6 : memref<!tpu.dma_semaphore, #tpu.memory_space<semaphore_mem>>) src(%dma_wait3A_60 : memref<8x2048xf32, #tpu.memory_space<hbm>>) dst(%arg4 : memref<8x2048xf32, #tpu.memory_space<vmem>>)
    %mul3A_61 = arith.constant 8 : i32
    %mul3A_62 = arith.muli %select_n3A, %mul3A_61 : i32
    %add3A_63 = arith.constant 0 : i32
    %add3A_64 = arith.addi %mul3A_35, %add3A_63 : i32
    %dma_wait3A_65 = tpu.memref_slice %arg2[%mul3A_62, %add3A_64] : memref<128x32768xf32, #tpu.memory_space<hbm>> -> memref<8x2048xf32, #tpu.memory_space<hbm>>
    %dma_wait3A_66 = tpu.memref_slice %arg2[%mul3A_62, %add3A_64] : memref<128x32768xf32, #tpu.memory_space<hbm>> -> memref<8x2048xf32, #tpu.memory_space<hbm>>
    tpu.wait_dma2 semaphore(%arg7 : memref<!tpu.dma_semaphore, #tpu.memory_space<semaphore_mem>>) src(%dma_wait3A_66 : memref<8x2048xf32, #tpu.memory_space<hbm>>) dst(%arg5 : memref<8x2048xf32, #tpu.memory_space<vmem>>)
    %mul3A_67 = arith.constant 65536 : i32
    %mul3A_68 = arith.muli %add3A, %mul3A_67 : i32
    "tpu.region"() ({
      %run_scoped3A = tpu.sem_alloc : memref<!tpu.dma_semaphore, #tpu.memory_space<semaphore_mem>>
      %dma_start3A_69 = tpu.memref_slice %arg3[%mul3A_68] : memref<2097152xi32, #tpu.memory_space<hbm>> -> memref<65536xi32, #tpu.memory_space<hbm>>
      %dma_start3A_70 = tpu.memref_slice %arg3[%mul3A_68] : memref<2097152xi32, #tpu.memory_space<hbm>> -> memref<65536xi32, #tpu.memory_space<hbm>>
      tpu.enqueue_dma source(%arg8 : memref<65536xi32, #tpu.memory_space<vmem>>) target(%dma_start3A_70 : memref<65536xi32, #tpu.memory_space<hbm>>) target_semaphore(%run_scoped3A : memref<!tpu.dma_semaphore, #tpu.memory_space<semaphore_mem>>)
      %dma_wait3A_71 = tpu.memref_slice %arg3[%mul3A_68] : memref<2097152xi32, #tpu.memory_space<hbm>> -> memref<65536xi32, #tpu.memory_space<hbm>>
      %dma_wait3A_72 = tpu.memref_slice %arg3[%mul3A_68] : memref<2097152xi32, #tpu.memory_space<hbm>> -> memref<65536xi32, #tpu.memory_space<hbm>>
      tpu.wait_dma2 semaphore(%run_scoped3A : memref<!tpu.dma_semaphore, #tpu.memory_space<semaphore_mem>>) src(%arg8 : memref<65536xi32, #tpu.memory_space<vmem>>) dst(%dma_wait3A_72 : memref<65536xi32, #tpu.memory_space<hbm>>)
      tpu.yield
    }) : () -> ()
    return
  }
}

module attributes {stable_mosaic.version = 14 : i64} {
  func.func @_tcb_body(%arg0: i32, %arg1: memref<8x128xi32, #tpu.memory_space<smem>>, %arg2: memref<16384x128xi32, #tpu.memory_space<vmem>>, %arg3: memref<8x32768xf32, #tpu.memory_space<vmem>>, %arg4: memref<8x32768xf32, #tpu.memory_space<vmem>>, %arg5: memref<1xf32, #tpu.memory_space<smem>>) attributes {dimension_semantics = [#tpu.dimension_semantics<arbitrary>], iteration_bounds = array<i64: 16>, scalar_prefetch = 0 : i64, scratch_operands = 1 : i64, tpu.core_type = #tpu.core_type<tc>, window_params = [{transform_indices = @transform_0, window_bounds = array<i64: 8, 128>}, {pipeline_mode = #tpu.pipeline_mode<synchronous>, transform_indices = @transform_1, window_bounds = array<i64: 16384, 128>}, {transform_indices = @transform_2, window_bounds = array<i64: 8, 32768>}, {transform_indices = @transform_3, window_bounds = array<i64: 8, 32768>}]} {
    %eq3A = arith.constant 0 : i32
    %eq3A_0 = arith.cmpi eq, %arg0, %eq3A : i32
    %convert_element_type3A = arith.extui %eq3A_0 : i1 to i32
    %cond3A = arith.constant 0 : i32
    %cond3A_1 = arith.cmpi ne, %convert_element_type3A, %cond3A : i32
    scf.if %cond3A_1 {
      %get3A_9 = arith.constant 0 : index
      %get3A_10 = arith.constant 0 : index
      %get3A_11 = memref.load %arg1[%get3A_9, %get3A_10] : memref<8x128xi32, #tpu.memory_space<smem>>
      %get3A_12 = arith.constant 1 : index
      %get3A_13 = arith.constant 0 : index
      %get3A_14 = memref.load %arg1[%get3A_12, %get3A_13] : memref<8x128xi32, #tpu.memory_space<smem>>
      %get3A_15 = arith.constant 0 : index
      %get3A_16 = arith.constant 0 : index
      %get3A_17 = vector.load %arg2[%get3A_15, %get3A_16] : memref<16384x128xi32, #tpu.memory_space<vmem>>, vector<16384x128xi32>
      %convert_element_type3A_18 = arith.sitofp %get3A_14 : i32 to f32
      %reshape3A = vector.shape_cast %get3A_17 : vector<16384x128xi32> to vector<32x512x128xi32>
      %reduce_sum3A = arith.constant dense<0> : vector<512x128xi32>
      %reduce_sum3A_19 = vector.multi_reduction <add>, %reshape3A, %reduce_sum3A [0] : vector<32x512x128xi32> to vector<512x128xi32>
      %convert_element_type3A_20 = arith.sitofp %reduce_sum3A_19 : vector<512x128xi32> to vector<512x128xf32>
      %iota3A = tpu.iota {dimensions = array<i32: 0>} : vector<512x512xi32>
      %iota3A_21 = tpu.iota {dimensions = array<i32: 1>} : vector<512x512xi32>
      %lt3A = arith.cmpi slt, %iota3A_21, %iota3A : vector<512x512xi32>
      %convert_element_type3A_22 = arith.extui %lt3A : vector<512x512xi1> to vector<512x512xi32>
      %convert_element_type3A_23 = arith.sitofp %convert_element_type3A_22 : vector<512x512xi32> to vector<512x512xf32>
      %iota3A_24 = tpu.iota {dimensions = array<i32: 0>} : vector<128x128xi32>
      %iota3A_25 = tpu.iota {dimensions = array<i32: 1>} : vector<128x128xi32>
      %le3A = arith.cmpi sle, %iota3A_24, %iota3A_25 : vector<128x128xi32>
      %convert_element_type3A_26 = arith.extui %le3A : vector<128x128xi1> to vector<128x128xi32>
      %convert_element_type3A_27 = arith.sitofp %convert_element_type3A_26 : vector<128x128xi32> to vector<128x128xf32>
      %dot_general3A = arith.constant dense<0.000000e+00> : vector<512x128xf32>
      %dot_general3A_28 = tpu.matmul %convert_element_type3A_23, %convert_element_type3A_20, %dot_general3A {dimension_numbers = #tpu.dot_dimension_numbers<[1], [0], [0], [1], [0, 0, 1, 1], [], []>, transpose_lhs_hint = false} : vector<512x512xf32>, vector<512x128xf32>, vector<512x128xf32> -> vector<512x128xf32>
      %reduce_sum3A_29 = arith.constant dense<0.000000e+00> : vector<512xf32>
      %reduce_sum3A_30 = vector.multi_reduction <add>, %dot_general3A_28, %reduce_sum3A_29 [1] : vector<512x128xf32> to vector<512xf32>
      %dot_general3A_31 = arith.constant dense<0.000000e+00> : vector<512x128xf32>
      %dot_general3A_32 = tpu.matmul %convert_element_type3A_20, %convert_element_type3A_27, %dot_general3A_31 {dimension_numbers = #tpu.dot_dimension_numbers<[1], [0], [0], [1], [0, 0, 1, 1], [], []>, transpose_lhs_hint = false} : vector<512x128xf32>, vector<128x128xf32>, vector<512x128xf32> -> vector<512x128xf32>
      %broadcast_in_dim3A = vector.shape_cast %reduce_sum3A_30 : vector<512xf32> to vector<512x1xf32>
      %add3A = vector.broadcast %broadcast_in_dim3A : vector<512x1xf32> to vector<512x128xf32>
      %add3A_33 = arith.addf %add3A, %dot_general3A_32 : vector<512x128xf32>
      %le3A_34 = vector.broadcast %convert_element_type3A_18 : f32 to vector<512x128xf32>
      %le3A_35 = arith.cmpf ole, %add3A_33, %le3A_34 : vector<512x128xf32>
      %convert_element_type3A_36 = arith.extui %le3A_35 : vector<512x128xi1> to vector<512x128xi32>
      %convert_element_type3A_37 = arith.sitofp %convert_element_type3A_36 : vector<512x128xi32> to vector<512x128xf32>
      %reduce_sum3A_38 = vector.shape_cast %convert_element_type3A_37 : vector<512x128xf32> to vector<1x512x128xf32>
      %reduce_sum3A_39 = arith.constant dense<0.000000e+00> : vector<1xf32>
      %reduce_sum3A_40 = vector.multi_reduction <add>, %reduce_sum3A_38, %reduce_sum3A_39 [1, 2] : vector<1x512x128xf32> to vector<1xf32>
      %reduce_sum3A_41 = vector.shape_cast %reduce_sum3A_40 : vector<1xf32> to vector<1x1x1xf32>
      %reduce_sum3A_42 = vector.extract %reduce_sum3A_41[0, 0, 0] : f32 from vector<1x1x1xf32>
      %convert_element_type3A_43 = arith.fptosi %reduce_sum3A_42 : f32 to i32
      %shift_left3A = arith.constant 16 : i32
      %shift_left3A_44 = arith.shli %get3A_11, %shift_left3A : i32
      %or3A = arith.ori %shift_left3A_44, %convert_element_type3A_43 : i32
      %lt3A_45 = arith.constant 0 : i32
      %lt3A_46 = arith.cmpi slt, %or3A, %lt3A_45 : i32
      %xor3A = arith.constant -2147483648 : i32
      %xor3A_47 = arith.xori %or3A, %xor3A : i32
      %not3A = arith.constant -1 : i32
      %not3A_48 = arith.xori %or3A, %not3A : i32
      %select_n3A = arith.select %lt3A_46, %xor3A_47, %not3A_48 : i32
      %bitcast_convert_type3A = arith.bitcast %select_n3A : i32 to f32
      %swap3A_49 = arith.constant 0 : index
      %swap3A_50 = memref.load %arg5[%swap3A_49] : memref<1xf32, #tpu.memory_space<smem>>
      memref.store %bitcast_convert_type3A, %arg5[%swap3A_49] : memref<1xf32, #tpu.memory_space<smem>>
    } else {
    }
    %get3A = arith.constant 0 : index
    %get3A_2 = arith.constant 0 : index
    %get3A_3 = vector.load %arg3[%get3A, %get3A_2] : memref<8x32768xf32, #tpu.memory_space<vmem>>, vector<8x32768xf32>
    %get3A_4 = arith.constant 0 : index
    %get3A_5 = memref.load %arg5[%get3A_4] : memref<1xf32, #tpu.memory_space<smem>>
    %max3A = vector.broadcast %get3A_5 : f32 to vector<8x32768xf32>
    %max3A_6 = arith.maximumf %get3A_3, %max3A : vector<8x32768xf32>
    %swap3A = arith.constant 0 : index
    %swap3A_7 = arith.constant 0 : index
    %swap3A_8 = vector.load %arg4[%swap3A, %swap3A_7] : memref<8x32768xf32, #tpu.memory_space<vmem>>, vector<8x32768xf32>
    tpu.vector_store %arg4[%swap3A, %swap3A_7], %max3A_6 {strides = array<i32>} : memref<8x32768xf32, #tpu.memory_space<vmem>>, vector<8x32768xf32>,
    return
  }
  func.func @transform_0(%arg0: i32) -> (i32, i32) {
    %c0_i32 = arith.constant 0 : i32
    %c0_i32_0 = arith.constant 0 : i32
    %c0_i32_1 = arith.constant 0 : i32
    return %c0_i32, %c0_i32_0 : i32, i32
  }
  func.func @transform_1(%arg0: i32) -> (i32, i32) {
    %c0_i32 = arith.constant 0 : i32
    %c0_i32_0 = arith.constant 0 : i32
    %c0_i32_1 = arith.constant 0 : i32
    return %c0_i32, %c0_i32_0 : i32, i32
  }
  func.func @transform_2(%arg0: i32) -> (i32, i32) {
    %c0_i32 = arith.constant 0 : i32
    %c0_i32_0 = arith.constant 0 : i32
    return %arg0, %c0_i32 : i32, i32
  }
  func.func @transform_3(%arg0: i32) -> (i32, i32) {
    %c0_i32 = arith.constant 0 : i32
    %c0_i32_0 = arith.constant 0 : i32
    return %arg0, %c0_i32 : i32, i32
  }
}

module attributes {stable_mosaic.version = 14 : i64} {
  func.func @_tca_body(%arg0: memref<16384x128xi32, #tpu.memory_space<vmem>>, %arg1: memref<8x128xi32, #tpu.memory_space<vmem>>) attributes {dimension_semantics = [], scalar_prefetch = 0 : i64, scratch_operands = 0 : i64, tpu.core_type = #tpu.core_type<tc>} {
    %get3A = arith.constant 0 : index
    %get3A_0 = arith.constant 0 : index
    %get3A_1 = vector.load %arg0[%get3A, %get3A_0] : memref<16384x128xi32, #tpu.memory_space<vmem>>, vector<16384x128xi32>
    %reshape3A = vector.shape_cast %get3A_1 : vector<16384x128xi32> to vector<32x512x128xi32>
    %reduce_sum3A = arith.constant dense<0> : vector<512x128xi32>
    %reduce_sum3A_2 = vector.multi_reduction <add>, %reshape3A, %reduce_sum3A [0] : vector<32x512x128xi32> to vector<512x128xi32>
    %convert_element_type3A = arith.sitofp %reduce_sum3A_2 : vector<512x128xi32> to vector<512x128xf32>
    %iota3A = tpu.iota {dimensions = array<i32: 0>} : vector<512x512xi32>
    %iota3A_3 = tpu.iota {dimensions = array<i32: 1>} : vector<512x512xi32>
    %lt3A = arith.cmpi slt, %iota3A_3, %iota3A : vector<512x512xi32>
    %convert_element_type3A_4 = arith.extui %lt3A : vector<512x512xi1> to vector<512x512xi32>
    %convert_element_type3A_5 = arith.sitofp %convert_element_type3A_4 : vector<512x512xi32> to vector<512x512xf32>
    %iota3A_6 = tpu.iota {dimensions = array<i32: 0>} : vector<128x128xi32>
    %iota3A_7 = tpu.iota {dimensions = array<i32: 1>} : vector<128x128xi32>
    %le3A = arith.cmpi sle, %iota3A_6, %iota3A_7 : vector<128x128xi32>
    %convert_element_type3A_8 = arith.extui %le3A : vector<128x128xi1> to vector<128x128xi32>
    %convert_element_type3A_9 = arith.sitofp %convert_element_type3A_8 : vector<128x128xi32> to vector<128x128xf32>
    %dot_general3A = arith.constant dense<0.000000e+00> : vector<512x128xf32>
    %dot_general3A_10 = tpu.matmul %convert_element_type3A_5, %convert_element_type3A, %dot_general3A {dimension_numbers = #tpu.dot_dimension_numbers<[1], [0], [0], [1], [0, 0, 1, 1], [], []>, transpose_lhs_hint = false} : vector<512x512xf32>, vector<512x128xf32>, vector<512x128xf32> -> vector<512x128xf32>
    %reduce_sum3A_11 = arith.constant dense<0.000000e+00> : vector<512xf32>
    %reduce_sum3A_12 = vector.multi_reduction <add>, %dot_general3A_10, %reduce_sum3A_11 [1] : vector<512x128xf32> to vector<512xf32>
    %dot_general3A_13 = arith.constant dense<0.000000e+00> : vector<512x128xf32>
    %dot_general3A_14 = tpu.matmul %convert_element_type3A, %convert_element_type3A_9, %dot_general3A_13 {dimension_numbers = #tpu.dot_dimension_numbers<[1], [0], [0], [1], [0, 0, 1, 1], [], []>, transpose_lhs_hint = false} : vector<512x128xf32>, vector<128x128xf32>, vector<512x128xf32> -> vector<512x128xf32>
    %broadcast_in_dim3A = vector.shape_cast %reduce_sum3A_12 : vector<512xf32> to vector<512x1xf32>
    %add3A = vector.broadcast %broadcast_in_dim3A : vector<512x1xf32> to vector<512x128xf32>
    %add3A_15 = arith.addf %add3A, %dot_general3A_14 : vector<512x128xf32>
    %le3A_16 = arith.constant 4.194300e+05 : f32
    %le3A_17 = vector.broadcast %le3A_16 : f32 to vector<512x128xf32>
    %le3A_18 = arith.cmpf ole, %add3A_15, %le3A_17 : vector<512x128xf32>
    %convert_element_type3A_19 = arith.extui %le3A_18 : vector<512x128xi1> to vector<512x128xi32>
    %convert_element_type3A_20 = arith.sitofp %convert_element_type3A_19 : vector<512x128xi32> to vector<512x128xf32>
    %reduce_sum3A_21 = vector.shape_cast %convert_element_type3A_20 : vector<512x128xf32> to vector<1x512x128xf32>
    %reduce_sum3A_22 = arith.constant dense<0.000000e+00> : vector<1xf32>
    %reduce_sum3A_23 = vector.multi_reduction <add>, %reduce_sum3A_21, %reduce_sum3A_22 [1, 2] : vector<1x512x128xf32> to vector<1xf32>
    %reduce_sum3A_24 = vector.shape_cast %reduce_sum3A_23 : vector<1xf32> to vector<1x1x1xf32>
    %reduce_sum3A_25 = vector.extract %reduce_sum3A_24[0, 0, 0] : f32 from vector<1x1x1xf32>
    %convert_element_type3A_26 = arith.fptosi %reduce_sum3A_25 : f32 to i32
    %iota3A_27 = tpu.iota {dimensions = array<i32: 0>} : vector<512x128xi32>
    %mul3A = arith.constant 128 : i32
    %mul3A_28 = vector.broadcast %mul3A : i32 to vector<512x128xi32>
    %mul3A_29 = arith.muli %iota3A_27, %mul3A_28 : vector<512x128xi32>
    %iota3A_30 = tpu.iota {dimensions = array<i32: 1>} : vector<512x128xi32>
    %add3A_31 = arith.addi %mul3A_29, %iota3A_30 : vector<512x128xi32>
    %lt3A_32 = vector.broadcast %convert_element_type3A_26 : i32 to vector<512x128xi32>
    %lt3A_33 = arith.cmpi slt, %add3A_31, %lt3A_32 : vector<512x128xi32>
    %jit3A = arith.constant 0.000000e+00 : f32
    %broadcast_in_dim3A_34 = vector.broadcast %jit3A : f32 to vector<512x128xf32>
    %select_n3A = arith.select %lt3A_33, %convert_element_type3A, %broadcast_in_dim3A_34 : vector<512x128xi1>, vector<512x128xf32>
    %reduce_sum3A_35 = vector.shape_cast %select_n3A : vector<512x128xf32> to vector<1x512x128xf32>
    %reduce_sum3A_36 = arith.constant dense<0.000000e+00> : vector<1xf32>
    %reduce_sum3A_37 = vector.multi_reduction <add>, %reduce_sum3A_35, %reduce_sum3A_36 [1, 2] : vector<1x512x128xf32> to vector<1xf32>
    %reduce_sum3A_38 = vector.shape_cast %reduce_sum3A_37 : vector<1xf32> to vector<1x1x1xf32>
    %reduce_sum3A_39 = vector.extract %reduce_sum3A_38[0, 0, 0] : f32 from vector<1x1x1xf32>
    %convert_element_type3A_40 = arith.fptosi %reduce_sum3A_39 : f32 to i32
    %sub3A = arith.constant 419430 : i32
    %sub3A_41 = arith.subi %sub3A, %convert_element_type3A_40 : i32
    %iota3A_42 = tpu.iota {dimensions = array<i32: 0>} : vector<8x128xi32>
    %eq3A = arith.constant 0 : i32
    %eq3A_43 = vector.broadcast %eq3A : i32 to vector<8x128xi32>
    %eq3A_44 = arith.cmpi eq, %iota3A_42, %eq3A_43 : vector<8x128xi32>
    %eq3A_45 = arith.constant 1 : i32
    %eq3A_46 = vector.broadcast %eq3A_45 : i32 to vector<8x128xi32>
    %eq3A_47 = arith.cmpi eq, %iota3A_42, %eq3A_46 : vector<8x128xi32>
    %jit3A_48 = arith.constant 0 : i32
    %broadcast_in_dim3A_49 = vector.broadcast %sub3A_41 : i32 to vector<8x128xi32>
    %broadcast_in_dim3A_50 = vector.broadcast %jit3A_48 : i32 to vector<8x128xi32>
    %select_n3A_51 = arith.select %eq3A_47, %broadcast_in_dim3A_49, %broadcast_in_dim3A_50 : vector<8x128xi1>, vector<8x128xi32>
    %broadcast_in_dim3A_52 = vector.broadcast %convert_element_type3A_26 : i32 to vector<8x128xi32>
    %select_n3A_53 = arith.select %eq3A_44, %broadcast_in_dim3A_52, %select_n3A_51 : vector<8x128xi1>, vector<8x128xi32>
    %swap3A = arith.constant 0 : index
    %swap3A_54 = arith.constant 0 : index
    %swap3A_55 = vector.load %arg1[%swap3A, %swap3A_54] : memref<8x128xi32, #tpu.memory_space<vmem>>, vector<8x128xi32>
    tpu.vector_store %arg1[%swap3A, %swap3A_54], %select_n3A_53 {strides = array<i32>} : memref<8x128xi32, #tpu.memory_space<vmem>>, vector<8x128xi32>,
    return
  }
}

</mosaic_0001>

<sc_bundles>
// kernel: kernel.6.cloned.1.call-start
scs
__scs_entry_jumppad:
0x0: {  	(pc) =	sbr.rel $0x88, $3  }
0x1: {  	(tag) =	ssettag $0x0;
	lr =	simm.s32 $0x1  }
0x2: {  	[smem:$0x3FA0] =	sst lr;
	_ =	strace $0xD0000000  }
0x3: {  	_ = 	snop  }
0x4: {  	_ = 	snop  }
0x5: {  	_ = 	snop  }
0x6: {  	_ = 	snop  }
0x7: {  	_ = 	snop  }
__scs_overlays_trampoline_lowered:
0x8: {  	[smem:$0x3FAF] =	sst s0  }
0x9: {  	[smem:$0x3FB0] =	sst s1  }
0xa: {  	[smem:$0x3FB1] =	sst s2  }
0xb: {  	[smem:$0x3FB2] =	sst s3  }
0xc: {  	[smem:$0x3FB3] =	sst s4  }
0xd: {  	[smem:$0x3FB4] =	sst s5  }
0xe: {  	[smem:$0x3FB5] =	sst s6  }
0xf: {  	[smem:$0x3FB6] =	sst s7  }
0x10: {  	[smem:$0x3FB7] =	sst s8  }
0x11: {  	[smem:$0x3FB8] =	sst s9;
	s0 =	simm.s32 @!p0 $0x0  }
0x12: {  	s1 =	sld [smem:$0x3F9E];
	s0 =	simm.s32 @p0 $0x1  }
0x13: {  	[smem:$0x3FB9] =	sst s0;
	s0 =	simm.s32 @!p1 $0x0  }
0x14: {  	s2 =	sld [smem:$0x3F9D];
	s0 =	simm.s32 @p1 $0x1  }
0x15: {  	[smem:$0x3FBA] =	sst s0;
	s0 =	simm.s32 @!p2 $0x0  }
0x16: {  	s3 =	sld [smem:$0x3FDB];
	s0 =	simm.s32 @p2 $0x1  }
0x17: {  	s4 =	simm.s32 $0x1BF5;
	[smem:$0x3FBC] =	sst s0  }
0x18: {  	s0 =	sld [smem:$0x3F9F];
	_ =	swait.ge [sflag:s4], $0x0  }
0x19: {  	s7 =	sld [smem:$0x3FA0]  }
0x1a: {  	s8 =	sadd.s32 $0xFFFFE003, lr  }
0x1b: {  	s9 =	sadd.s32 $0xFFFFFEF7, lr;
	s5 =	simm.s32 $0xFFFFFFFF;
	p2 =	slt.u32 s8, $0xFFFFF086  }
0x1c: {  	p1 =	slt.u32 s9, $0xF7A;
	s5 =	simm.s32 @!p2 $0x0  }
0x1d: {  	s5 =	simm.s32 @p1 $0x1;
	p0 =	seq.s32 s7, s2  }
0x1e: {  	s7 =	smul.u32 @!p0 $0xF7A, s2;
	p2 =	seq.s32 @!p0 s5, $0x0  }
0x1f: {  	s9 =	smul.u32 $0xF7A, s1;
	s8 =	simm.s32 @!p0 $0x1BF5;
	p2 =	por !p2, p0  }
0x20: {  	[sflag:s8] =	ssyncset.s32 @!p0 $0xFFFFF086;
	s6 =	sadd.s32 @!p0 s3, s7;
	s7 =	simm.s32 @!p0 $0x108  }
0x21: {  	s3 =	sadd.s32 s3, s9;
	s6 =	sadd.s32 @!p0 $0x88, s6;
	s7 =	simm.s32 @p2 $0x1082  }
0x22: {  	[simem:s7], [sflag:s8] =	dma.local @!p0 [hbm:s6], $0xF7A  }
0x23: {  	s9 =	sor.u32 $0xD0000000, s2;
	s6 =	simm.s32 $0x108;
	_ =	swait.ge @!p0 [sflag:s8], $0x0  }
0x24: {  	s3 =	sadd.s32 $0x88, s3;
	s6 =	simm.s32 @!p1 $0x1082;
	[sflag:s4] =	ssyncset.s32 $0xFFFFF086  }
0x25: {  	[simem:s6], [sflag:s4] =	dma.local [hbm:s3], $0xF7A  }
0x26: {  	[smem:$0x3FA0] =	sst s1;
	(tag) =	ssettag s2;
	_ =	strace s9  }
0x27: {  	s1 =	sld [smem:$0x3FB0]  }
0x28: {  	s2 =	sld [smem:$0x3FB1]  }
0x29: {  	s4 =	sld [smem:$0x3FB3]  }
0x2a: {  	p0 =	seq.s32 s5, $0x0;
	s5 =	sld [smem:$0x3FB4]  }
0x2b: {  	s6 =	sld [smem:$0x3FB5]  }
0x2c: {  	s7 =	sld [smem:$0x3FB6]  }
0x2d: {  	s3 =	simm.s32 $0x108;
	s8 =	sld [smem:$0x3FB7]  }
0x2e: {  	s3 =	simm.s32 @!p0 $0x1082;
	s9 =	sld [smem:$0x3FB8]  }
0x2f: {  	lr =	sadd.s32 s0, s3;
	s0 =	sld [smem:$0x3FAF]  }
0x30: {  	s3 =	sld [smem:$0x3FB2]  }
0x31: {  	[smem:$0x3FBB] =	sst s10  }
0x32: {  	s10 =	sld [smem:$0x3FB9];
	_ =	sdelay $0x3  }
0x33: {  	p0 =	seq.s32 s10, $0x1;
	s10 =	sld [smem:$0x3FBB];
	_ =	sdelay $0x3  }
0x34: {  	[smem:$0x3FBB] =	sst s10  }
0x35: {  	s10 =	sld [smem:$0x3FBA];
	_ =	sdelay $0x3  }
0x36: {  	p1 =	seq.s32 s10, $0x1;
	s10 =	sld [smem:$0x3FBB];
	_ =	sdelay $0x3  }
0x37: {  	[smem:$0x3FBB] =	sst s10  }
0x38: {  	s10 =	sld [smem:$0x3FBC]  }
0x39: {  	_ = 	snop;
	(pc) =	sbr.ind lr, $3  }
0x3a: {  	_ = 	snop  }
0x3b: {  	_ = 	snop  }
0x3c: {  	p2 =	seq.s32 s10, $0x1;
	s10 =	sld [smem:$0x3FBB]  }
0x3d: {  	_ =	shalt  }
0x3e: {  	_ =	shalt  }
0x3f: {  	_ =	shalt  }
0x40: {  	_ =	shalt  }
0x41: {  	_ =	shalt  }
0x42: {  	_ =	shalt  }
0x43: {  	_ =	shalt  }
0x44: {  	_ =	shalt  }
0x45: {  	_ =	shalt  }
0x46: {  	_ =	shalt  }
0x47: {  	_ =	shalt  }
0x48: {  	_ =	shalt  }
0x49: {  	_ =	shalt  }
0x4a: {  	_ =	shalt  }
0x4b: {  	_ =	shalt  }
0x4c: {  	_ =	shalt  }
0x4d: {  	_ =	shalt  }
0x4e: {  	_ =	shalt  }
0x4f: {  	_ =	shalt  }
0x50: {  	_ =	shalt  }
0x51: {  	_ =	shalt  }
0x52: {  	_ =	shalt  }
0x53: {  	_ =	shalt  }
0x54: {  	_ =	shalt  }
0x55: {  	_ =	shalt  }
0x56: {  	_ =	shalt  }
0x57: {  	_ =	shalt  }
0x58: {  	_ =	shalt  }
0x59: {  	_ =	shalt  }
0x5a: {  	_ =	shalt  }
0x5b: {  	_ =	shalt  }
0x5c: {  	_ =	shalt  }
0x5d: {  	_ =	shalt  }
0x5e: {  	_ =	shalt  }
0x5f: {  	_ =	shalt  }
0x60: {  	_ =	shalt  }
0x61: {  	_ =	shalt  }
0x62: {  	_ =	shalt  }
0x63: {  	_ =	shalt  }
0x64: {  	_ =	shalt  }
0x65: {  	_ =	shalt  }
0x66: {  	_ =	shalt  }
0x67: {  	_ =	shalt  }
0x68: {  	_ =	shalt  }
0x69: {  	_ =	shalt  }
0x6a: {  	_ =	shalt  }
0x6b: {  	_ =	shalt  }
0x6c: {  	_ =	shalt  }
0x6d: {  	_ =	shalt  }
0x6e: {  	_ =	shalt  }
0x6f: {  	_ =	shalt  }
0x70: {  	_ =	shalt  }
0x71: {  	_ =	shalt  }
0x72: {  	_ =	shalt  }
0x73: {  	_ =	shalt  }
0x74: {  	_ =	shalt  }
0x75: {  	_ =	shalt  }
0x76: {  	_ =	shalt  }
0x77: {  	_ =	shalt  }
0x78: {  	_ =	shalt  }
0x79: {  	_ =	shalt  }
0x7a: {  	_ =	shalt  }
0x7b: {  	_ =	shalt  }
0x7c: {  	_ =	shalt  }
0x7d: {  	_ =	shalt  }
0x7e: {  	_ =	shalt  }
0x7f: {  	_ =	shalt  }
0x80: {  	_ =	shalt  }
0x81: {  	_ =	shalt  }
0x82: {  	_ =	shalt  }
0x83: {  	_ =	shalt  }
0x84: {  	_ =	shalt  }
0x85: {  	_ =	shalt  }
0x86: {  	_ =	shalt  }
0x87: {  	_ =	shalt  }
.Lfunc_end0:
.L_simem_size_0:
called_computation_lowered:
.L_overlay_start_0:
0x88: {  	s2 =	sld [smem:$0x3FD9]  }
0x89: {  	s3 =	sld [smem:$0x3FFE];
	_ =	sdelay $0x1  }
0x8a: {  	s1 =	srdreg.scid  }
0x8b: {  	s0 =	sand.u32 $0x1, s1  }
0x8c: {  	s18 =	sshll.u32 s0, $0xA;
	s2 =	sadd.s32 s3, s2  }
0x8d: {  	s2 =	sadd.s32 s2, s18  }
0x8e: {  	[smem:$0x3FC7] =	sst s2  }
0x8f: {  	_ = 	snop  }
0x90: {  	s2 =	sld [smem:$0x3FC9]  }
0x91: {  	s19 =	sld [smem:$0x3FD0];
	(tm) =	ssettm $0x1  }
0x92: {  	s4 =	sld [smem:$0x3FFB];
	_ =	sdelay $0x3  }
0x93: {  	_ =	strace s4  }
0x94: {  	s4 =	sld [smem:$0x3FFC];
	_ =	sdelay $0x3  }
0x95: {  	_ =	strace s4  }
0x96: {  	s4 =	sld [smem:$0x3FFD];
	_ =	sdelay $0x3  }
0x97: {  	_ =	strace s4  }
0x98: {  	_ =	strace $0x8FFFFFFF  }
0x99: {  	s20 =	sld [smem:$0x3FDB];
	_ =	sdelay $0x1  }
0x9a: {  	s5 =	simm.s32 $_scs_section_size  }
0x9b: {  	s6 =	simm.s32 $_size__tile_overlayer_lowered;
	s7 =	simm.s32 $_tile_overlayer_lowered  }
0x9c: {  	s23 =	simm.s32 $0x1BFF;
	s22 =	sshll.u32 s7, $0x1;
	s4 =	sadd.s32 s5, s20  }
0x9d: {  	s8 =	simm.s32 $0x0;
	s21 =	sshll.u32 s6, $0x1;
	s6 =	sadd.s32 s22, s4  }
0x9e: {  	[timem:s8], [sflag:s23] =	dma.local [hbm:s6], s21  }
0x9f: {  	_ =	swait.ge [sflag:s23], s21  }
0xa0: {  	s5 =	ssub.s32 $0x0, s21;
	[sflag:s23] =	ssyncset.done $0x0  }
0xa1: {  	[sflag:s23] =	ssyncadd.s32 s5;
	_ =	sdelay $0x1  }
0xa2: {  	s24 =	simm.s32 $0x1B8B  }
0xa3: {  	_ =	swait.ge [sflag:s24], $0x1  }
0xa4: {  	[sflag:s24] =	ssyncset.done $0x0  }
0xa5: {  	s25 =	simm.s32 $0x1B8E;
	[sflag:s24] =	ssyncadd.s32 $0xFFFFFFFF  }
0xa6: {  	s26 =	simm.s32 $execute0_lowered;
	[smem:$0x3FD2] =	sst s25  }
0xa7: {  	s5 =	sshll.u32 s26, $0x1;
	_ =	strace $0x80000046;
	[dreg:$0x1] =	wrdreg $0xFFFFFFFF  }
0xa8: {  	s28 =	simm.s32 $_size_execute0_lowered;
	s4 =	sadd.s32 s4, s5;
	[dreg:$0x0] =	wrdreg $0x0  }
0xa9: {  	s5 =	sshll.u32 s28, $0x1;
	[dreg:$0x2] =	wrdreg s4  }
0xaa: {  	[dreg:$0x3] =	wrdreg s5  }
0xab: {  	[dreg:$0x4] =	wrdreg $0xC0  }
0xac: {  	_ =	task [dreg:s8], $0x5FFFF  }
0xad: {  	[dreg:$0x1] =	wrdreg $0xFFFFFFFF  }
0xae: {  	[dreg:$0x0] =	wrdreg $0x60  }
0xaf: {  	[dreg:$0x2] =	wrdreg s2  }
0xb0: {  	[dreg:$0x3] =	wrdreg s19  }
0xb1: {  	[dreg:$0x4] =	wrdreg $0x9  }
0xb2: {  	_ =	task.clear_ibuf [dreg:s8], $0x5FFFF;
	_ =	strace $0x90000046  }
0xb3: {  	s29 =	simm.s32 $0x9;
	_ =	strace $0x80000048  }
0xb4: {  	_ =	swait.ge [sflag:s29], $0x1  }
0xb5: {  	[sflag:s29] =	ssyncadd.s32 $0xFFFFFFFF  }
0xb6: {  	_ =	strace $0x90000048  }
0xb7: {  	_ =	sfence  }
0xb8: {  	s30 =	sld [smem:$0x0];
	_ =	sdelay $0x2  }
0xb9: {  	s31 =	sshll.u32 s1, $0xD;
	s1 =	sshrl.u32 s1, $0x2  }
0xba: {  	s3 =	sand.u32 $0x4000, s31;
	s1 =	sadd.s32 s1, s30  }
0xbb: {  	s0 =	sor.u32 s3, s0;
	s1 =	sshll.u32 s1, $0x11  }
0xbc: {  	s0 =	sor.u32 s1, s0  }
0xbd: {  	s0 =	sadd.s32 $0x8F2B, s0  }
0xbe: {  	[sflag:s0] =	ssyncadd.remote.s32 $0x1  }
0xbf: {  	_ =	sfence.sel $0xFFFF  }
0xc0: {  	[dreg:$0x0] =	wrdreg $0xFFFFFFFF;
	(pc) =	sbr.abs _section_cstart, $3  }
0xc1: {  	[dreg:$0x1] =	wrdreg $0xFFFFFFFF  }
0xc2: {  	_ =	task.clear_ibuf [dreg:s8], $0x2FFFF;
	_ =	strace $0x9FFFFFFF  }
0xc3: {  	(tm) =	ssettm $0x7FFFFFFF  }
tec
execute0_lowered:
.L_overlay_start_1:
0x0: {  	(tag) =	ssettag $0x1  }
0x1: {  	s1 =	srdreg.scid  }
0x2: {  	s0 =	stileid.u32;
	s2 =	rddreg [dreg:$0x0]  }
0x3: {  	s9 =	rddreg [dreg:$0x1];
	s4 =	simm.s32 $0x1;
	s3 =	simm.s32 $0x0  }
0x4: {  	s12 =	simm.s32 $0x8000;
	s5 =	sand.u32 $0x1, s1;
	s26 =	sshll.u32 s0, $0x1  }
0x5: {  	s13 =	simm.s32 $0x2;
	s14 =	simm.s32 $0x3;
	s7 =	sor.u32 s5, s26  }
0x6: {  	s1 =	rddreg [dreg:$0x2];
	p1 =	seq.s32 s5, $0x1;
	p0 =	seq.s32 s7, $0x0  }
0x7: {  	s15 =	simm.s32 $0x0;
	[smem:$0x7FF] =	sst s3;
	p0 =	por !p0, !p1  }
0x8: {  	s6 =	ssub.s32 $0x2, s5;
	s28 =	sshll.u32 s5, $0x11;
	p0 =	por !p0, !p0  }
0x9: {  	_ =	strace $0x80000047;
	s5 =	sshll.u32 s5, $0xE;
	s4 =	simm.s32 @!p0 $0x0  }
0xa: {  	s8 =	sshrl.u32 s6, $0x1;
	s5 =	sadd.s32 s2, s5;
	s4 =	ssub.s32 s0, s4  }
0xb: {  	s31 =	sshll.u32 s7, $0xD;
	s11 =	ssub.s32 s6, s8;
	s10 =	sshll.u32 s4, $0x12  }
0xc: {  	s9 =	sadd.s32 s9, s31;
	s29 =	sor.u32 s10, s28;
	s10 =	sshrl.u32 s10, $0x3  }
0xd: {  	s4 =	simm.s32 $0x1;
	s30 =	sshrl.u32 s29, $0x3;
	s5 =	sadd.s32 s10, s5  }
0xe: {  	s7 =	sor.u32 $0x8000, s29;
	s8 =	sor.u32 $0xC000, s29;
	s6 =	sadd.s32 s30, s2  }
0xf: {  	v0 =	vimm.s32 $0x0;
	s10 =	smax.u32 s11, $0x1;
	s11 =	simm.s32 $0x4000;
	s6 =	sadd.s32 $0x800, s6  }
.LBB2_1:
0x10: {  	[tilespmem:s3], [sflag:$0x1] =	stream.linear.gather [hbm4b:s5+s3], $0x4000, $0x38;
	[tilespmem:$0x18000] =	vst v63  }
0x11: {  	s16 =	simm.s32 $0x8040  }
0x12: {  	[tilespmem:s11], [sflag:$0x2] =	stream.linear.gather [hbm4b:s6+s3], $0x4000, $0x38;
	[tilespmem:$0x18000] =	vst v63  }
0x13: {  	[tilespmem:s16+$0xFFFFFFC0] =	vst v0  }
0x14: {  	[tilespmem:s16+$0x30] =	vst v0  }
0x15: {  	[tilespmem:s16+$0x20] =	vst v0  }
0x16: {  	[tilespmem:s16+$0x10] =	vst v0  }
0x17: {  	[tilespmem:s16+$0x0] =	vst v0  }
0x18: {  	[tilespmem:s16+$0xFFFFFFF0] =	vst v0  }
0x19: {  	s17 =	simm.s32 $0x0;
	[tilespmem:s16+$0xFFFFFFE0] =	vst v0  }
.LBB2_2:
0x1a: {  	s17 =	sadd.s32 $0x8, s17;
	[tilespmem:s16+$0xFFFFFFD0] =	vst v0;
	s16 =	sadd.s32 $0x80, s16  }
0x1b: {  	[tilespmem:s16+$0xFFFFFFC0] =	vst v0;
	p0 =	slt.u32 s17, $0xFF8  }
0x1c: {  	[tilespmem:s16+$0x30] =	vst v0  }
.Ltmp0:
0x1d: {  	[tilespmem:s16+$0x20] =	vst v0;
	(pc) =	sbr.rel @p0 .LBB2_2-.Ltmp0, $4  }
0x1e: {  	[tilespmem:s16+$0x10] =	vst v0  }
0x1f: {  	[tilespmem:s16+$0x0] =	vst v0  }
0x20: {  	[tilespmem:s16+$0xFFFFFFF0] =	vst v0  }
0x21: {  	[tilespmem:s16+$0xFFFFFFE0] =	vst v0  }
0x22: {  	[tilespmem:s16+$0xFFFFFFD0] =	vst v0;
	s16 =	simm.s32 $0x0;
	s17 =	simm.s32 $0x0  }
.LBB2_4:
0x23: {  	_ =	swait.ge [sflag:s4], $0x4000;
	s18 =	simm.s32 $0x0  }
0x24: {  	s19 =	sand.u32 $0x3C00, s16;
	[sflag:s4] =	ssyncset.done $0x0;
	s18 =	sand.u32 $0x380, s18  }
0x25: {  	[sflag:s4] =	ssyncadd.s32 $0xFFFFC000;
	s18 =	sor.u32 s18, s19  }
0x26: {  	v1 =	vld [tilespmem:s18+$0x20];
	_ =	sdelay $0x4  }
0x27: {  	v2 =	vshra.s32 v1, $0x1F  }
0x28: {  	v2 =	vor.u32 $0x80000000, v2  }
0x29: {  	v3 =	vld [tilespmem:s18+$0x0];
	v1 =	vxor.u32 v1, v2  }
0x2a: {  	v4 =	vld [tilespmem:s18+$0x10];
	v5 =	vshrl.u32 v1, $0x10  }
0x2b: {  	(xrf1) =	vunique.msk.u32 $0xffff, v5  }
0x2c: {  	v2 =	vld [tilespmem:s18+$0x50];
	_ =	sdelay $0x1  }
0x2d: {  	v6 =	vld [tilespmem:s18+$0x70]  }
0x2e: {  	v7 =	vld [tilespmem:s18+$0x60];
	v8 =	vshra.s32 v4, $0x1F;
	v1 =	vshra.s32 v3, $0x1F  }
0x2f: {  	v9 =	vld [tilespmem:s18+$0x40];
	v8 =	vor.u32 $0x80000000, v8;
	v1 =	vor.u32 $0x80000000, v1  }
0x30: {  	v1 =	vxor.u32 v3, v1;
	v3 =	vxor.u32 v4, v8;
	v10 =	vshra.s32 v2, $0x1F  }
0x31: {  	v17 =	vshrl.u32 v3, $0x10;
	v4 =	vor.u32 $0x80000000, v10  }
0x32: {  	s28 =	simm.s32 $0x8;
	s20 =	simm.s32 $0x400;
	v3 =	vshra.s32 v6, $0x1F;
	v1 =	vshrl.u32 v1, $0x10;
	v2 =	vxor.u32 v2, v4  }
0x33: {  	s29 =	sand.u32 $0x380, s28;
	s30 =	sand.u32 $0x3C00, s20;
	(xrf1) =	vunique.msk.u32 $0xffff, v17;
	v4 =	vshra.s32 v7, $0x1F;
	v16 =	vshrl.u32 v2, $0x10;
	v2 =	vor.u32 $0x80000000, v3;
	v3 =	vld [tilespmem:s18+$0x30]  }
0x34: {  	v4 =	vor.u32 $0x80000000, v4;
	s18 =	sor.u32 s29, s30;
	v2 =	vxor.u32 v6, v2;
	(xrf1) =	vunique.msk.u32 $0xffff, v16;
	v6 =	vshra.s32 v9, $0x1F  }
0x35: {  	v4 =	vxor.u32 v7, v4;
	v20 =	vshrl.u32 v2, $0x10;
	(xrf1) =	vunique.msk.u32 $0xffff, v1;
	v2 =	vor.u32 $0x80000000, v6;
	v6 =	vld [tilespmem:s18+$0x20]  }
0x36: {  	v19 =	vshrl.u32 v4, $0x10;
	(xrf1) =	vunique.msk.u32 $0xffff, v20  }
0x37: {  	v2 =	vxor.u32 v9, v2;
	(xrf1) =	vunique.msk.u32 $0xffff, v19  }
0x38: {  	v7 =	vld [tilespmem:s18+$0x10];
	v25 =	vshrl.u32 v2, $0x10;
	v2 =	vshra.s32 v3, $0x1F;
	_, v10, vm0 =	vpop (xrf1)  }
0x39: {  	v12 =	vld [tilespmem:s18+$0x60];
	v2 =	vor.u32 $0x80000000, v2  }
0x3a: {  	v15 =	vld [tilespmem:s18+$0x70];
	v2 =	vxor.u32 v3, v2;
	v3 =	vshra.s32 v6, $0x1F  }
0x3b: {  	v4 =	vld [tilespmem:s18+$0x0];
	(xrf1) =	vunique.msk.u32 $0xffff, v25;
	v3 =	vor.u32 $0x80000000, v3  }
0x3c: {  	v11 =	vld [tilespmem:s18+$0x50];
	v2 =	vshrl.u32 v2, $0x10;
	v3 =	vxor.u32 v6, v3  }
0x3d: {  	v9 =	vld [tilespmem:s18+$0x40];
	(xrf1) =	vunique.msk.u32 $0xffff, v2;
	v3 =	vshrl.u32 v3, $0x10  }
0x3e: {  	(xrf1) =	vunique.msk.u32 $0xffff, v3;
	[tilespmem:v5+s12+$0x0] =	vst.idx.add.s32.msk vm0, v10;
	v10 =	vshra.s32 v12, $0x1F  }
0x3f: {  	s19 =	simm.s32 $0x800;
	v8 =	vld [tilespmem:s18+$0x30];
	s18 =	simm.s32 $0x10;
	v22 =	vor.u32 $0x80000000, v10;
	v10 =	vshra.s32 v15, $0x1F  }
0x40: {  	s21 =	sand.u32 $0x3C00, s19;
	s31 =	sand.u32 $0x380, s18;
	v14 =	vshra.s32 v7, $0x1F;
	v13 =	vshra.s32 v4, $0x1F  }
0x41: {  	s20 =	sor.u32 s31, s21;
	v6 =	vor.u32 $0x80000000, v13;
	v13 =	vor.u32 $0x80000000, v14;
	v14 =	vshra.s32 v11, $0x1F;
	_, v21, vm1 =	vpop (xrf1)  }
0x42: {  	v18 =	vld [tilespmem:s20+$0x0];
	v6 =	vxor.u32 v4, v6;
	v4 =	vxor.u32 v7, v13;
	v13 =	vshra.s32 v9, $0x1F;
	_, v24, vm3 =	vpop (xrf1)  }
0x43: {  	v23 =	vld [tilespmem:s20+$0x10];
	v5 =	vor.u32 $0x80000000, v14;
	v14 =	vor.u32 $0x80000000, v13;
	v13 =	vor.u32 $0x80000000, v10;
	_, v10, vm0 =	vpop (xrf1)  }
0x44: {  	v26 =	vld [tilespmem:s20+$0x20];
	v7 =	vshra.s32 v8, $0x1F;
	v4 =	vshrl.u32 v4, $0x10;
	v5 =	vxor.u32 v11, v5;
	_, v27, vm2 =	vpop (xrf1)  }
0x45: {  	v29 =	vld [tilespmem:s20+$0x50];
	v7 =	vor.u32 $0x80000000, v7;
	(xrf1) =	vunique.msk.u32 $0xffff, v4;
	v5 =	vshrl.u32 v5, $0x10;
	_, v28, vm4 =	vpop (xrf1)  }
0x46: {  	v8 =	vxor.u32 v8, v7;
	v7 =	vshrl.u32 v6, $0x10;
	v11 =	vld [tilespmem:s20+$0x30];
	v6 =	vxor.u32 v15, v13;
	(xrf1) =	vunique.msk.u32 $0xffff, v5  }
0x47: {  	v14 =	vxor.u32 v9, v14;
	v12 =	vxor.u32 v12, v22;
	v13 =	vld [tilespmem:s20+$0x40];
	v6 =	vshrl.u32 v6, $0x10;
	(xrf1) =	vunique.msk.u32 $0xffff, v7  }
0x48: {  	v22 =	vshra.s32 v23, $0x1F;
	v15 =	vshra.s32 v18, $0x1F;
	v9 =	vshrl.u32 v12, $0x10;
	v12 =	vld [tilespmem:s20+$0x60];
	(xrf1) =	vunique.msk.u32 $0xffff, v6  }
0x49: {  	v14 =	vshrl.u32 v14, $0x10;
	[tilespmem:v17+s12+$0x0] =	vst.idx.add.s32.msk vm1, v21;
	v15 =	vor.u32 $0x80000000, v15;
	(xrf1) =	vunique.msk.u32 $0xffff, v9;
	_, v30, vm5 =	vpop (xrf1)  }
0x4a: {  	v15 =	vxor.u32 v18, v15;
	v18 =	vor.u32 $0x80000000, v22;
	v22 =	vshra.s32 v26, $0x1F;
	[tilespmem:v16+s12+$0x0] =	vst.idx.add.s32.msk vm3, v24  }
0x4b: {  	v16 =	vxor.u32 v23, v18;
	v23 =	vor.u32 $0x80000000, v22;
	(xrf1) =	vunique.msk.u32 $0xffff, v14;
	[tilespmem:v19+s12+$0x0] =	vst.idx.add.s32.msk vm4, v28;
	_, v19, vm1 =	vpop (xrf1)  }
0x4c: {  	v8 =	vshrl.u32 v8, $0x10;
	v21 =	vshra.s32 v29, $0x1F;
	v23 =	vxor.u32 v26, v23;
	[tilespmem:v20+s12+$0x0] =	vst.idx.add.s32.msk vm2, v27;
	_, v20, vm2 =	vpop (xrf1)  }
0x4d: {  	v22 =	vshra.s32 v11, $0x1F;
	v16 =	vshrl.u32 v16, $0x10;
	v17 =	vshrl.u32 v23, $0x10;
	(xrf1) =	vunique.msk.u32 $0xffff, v8  }
0x4e: {  	v18 =	vld [tilespmem:s20+$0x70];
	v24 =	vshra.s32 v13, $0x1F;
	v26 =	vshra.s32 v12, $0x1F;
	v23 =	vor.u32 $0x80000000, v21;
	(xrf1) =	vunique.msk.u32 $0xffff, v17  }
0x4f: {  	v21 =	vor.u32 $0x80000000, v24;
	v24 =	vxor.u32 v29, v23;
	v23 =	vor.u32 $0x80000000, v26;
	[tilespmem:v25+s12+$0x0] =	vst.idx.add.s32.msk vm5, v30  }
.LBB2_5:
0x50: {  	s18 =	sadd.s32 $0x8, s18;
	v22 =	vor.u32 $0x80000000, v22;
	s19 =	sadd.s32 $0x400, s19;
	[tilespmem:v1+s12+$0x0] =	vst.idx.add.s32.msk vm0, v10;
	v1 =	vmovc v7;
	v25 =	vmovc v14;
	v26 =	vmov v4;
	v4 =	vmov v16  }
0x51: {  	s20 =	sand.u32 $0x380, s18;
	s21 =	sand.u32 $0x3C00, s19;
	p0 =	slt.u32 s18, $0x3F8;
	v14 =	vxor.u32 v11, v22;
	[tilespmem:v2+s12+$0x0] =	vst.idx.add.s32.msk vm1, v19;
	v2 =	vmov v8  }
0x52: {  	s20 =	sor.u32 s20, s21;
	[tilespmem:v3+s12+$0x0] =	vst.idx.add.s32.msk vm2, v20;
	v3 =	vmov v17  }
0x53: {  	v16 =	vld [tilespmem:s20+$0x0];
	_, v17, vm3 =	vpop (xrf1)  }
0x54: {  	v7 =	vshra.s32 v18, $0x1F;
	v19 =	vld [tilespmem:s20+$0x10];
	_, v20, vm1 =	vpop (xrf1)  }
0x55: {  	v22 =	vshrl.u32 v24, $0x10;
	v8 =	vor.u32 $0x80000000, v7;
	v27 =	vld [tilespmem:s20+$0x20];
	(xrf1) =	vunique.msk.u32 $0xffff, v4;
	_, v10, vm0 =	vpop (xrf1)  }
0x56: {  	v7 =	vshrl.u32 v15, $0x10;
	v15 =	vxor.u32 v18, v8;
	v11 =	vld [tilespmem:s20+$0x30];
	(xrf1) =	vunique.msk.u32 $0xffff, v22;
	_, v24, vm4 =	vpop (xrf1)  }
0x57: {  	v12 =	vxor.u32 v12, v23;
	v8 =	vshrl.u32 v14, $0x10;
	v23 =	vshrl.u32 v15, $0x10;
	v28 =	vld [tilespmem:s20+$0x40];
	(xrf1) =	vunique.msk.u32 $0xffff, v7;
	_, v29, vm5 =	vpop (xrf1)  }
0x58: {  	v13 =	vxor.u32 v13, v21;
	v31 =	vshrl.u32 v12, $0x10;
	v14 =	vshra.s32 v16, $0x1F;
	v30 =	vld [tilespmem:s20+$0x50];
	(xrf1) =	vunique.msk.u32 $0xffff, v23  }
0x59: {  	v15 =	vor.u32 $0x80000000, v14;
	v18 =	vshra.s32 v19, $0x1F;
	v12 =	vld [tilespmem:s20+$0x60];
	v14 =	vshrl.u32 v13, $0x10;
	(xrf1) =	vunique.msk.u32 $0xffff, v31;
	_, v32, vm6 =	vpop (xrf1)  }
0x5a: {  	v15 =	vxor.u32 v16, v15;
	v13 =	vor.u32 $0x80000000, v18;
	v16 =	vshra.s32 v27, $0x1F;
	[tilespmem:v5+s12+$0x0] =	vst.idx.add.s32.msk vm1, v20;
	v5 =	vmovc v22  }
.Ltmp1:
0x5b: {  	v34 =	vxor.u32 v19, v13;
	v33 =	vor.u32 $0x80000000, v16;
	v22 =	vshra.s32 v11, $0x1F;
	v18 =	vld [tilespmem:s20+$0x70];
	(xrf1) =	vunique.msk.u32 $0xffff, v14;
	_, v19, vm1 =	vpop (xrf1);
	(pc) =	sbr.rel @p0 .LBB2_5-.Ltmp1, $4  }
0x5c: {  	v16 =	vshrl.u32 v34, $0x10;
	v27 =	vxor.u32 v27, v33;
	v21 =	vshra.s32 v28, $0x1F;
	_, v20, vm2 =	vpop (xrf1);
	[tilespmem:v26+s12+$0x0] =	vst.idx.add.s32.msk vm3, v17  }
0x5d: {  	v17 =	vshrl.u32 v27, $0x10;
	v26 =	vshra.s32 v30, $0x1F;
	(xrf1) =	vunique.msk.u32 $0xffff, v8;
	[tilespmem:v9+s12+$0x0] =	vst.idx.add.s32.msk vm5, v29;
	v13 =	vmovc v28  }
0x5e: {  	v27 =	vor.u32 $0x80000000, v26;
	v26 =	vshra.s32 v12, $0x1F;
	(xrf1) =	vunique.msk.u32 $0xffff, v17;
	[tilespmem:v6+s12+$0x0] =	vst.idx.add.s32.msk vm4, v24;
	v6 =	vmovc v23  }
0x5f: {  	v21 =	vor.u32 $0x80000000, v21;
	v9 =	vmovc v31;
	v24 =	vxor.u32 v30, v27;
	v23 =	vor.u32 $0x80000000, v26;
	[tilespmem:v25+s12+$0x0] =	vst.idx.add.s32.msk vm6, v32  }
0x60: {  	v25 =	vshra.s32 v18, $0x1F;
	v24 =	vshrl.u32 v24, $0x10  }
0x61: {  	(xrf1) =	vunique.msk.u32 $0xffff, v16;
	v13 =	vxor.u32 v13, v21;
	v21 =	vor.u32 $0x80000000, v22;
	v25 =	vor.u32 $0x80000000, v25  }
0x62: {  	v15 =	vshrl.u32 v15, $0x10;
	(xrf1) =	vunique.msk.u32 $0xffff, v24;
	v18 =	vxor.u32 v18, v25  }
0x63: {  	v12 =	vxor.u32 v12, v23;
	(xrf1) =	vunique.msk.u32 $0xffff, v15;
	v18 =	vshrl.u32 v18, $0x10  }
0x64: {  	v12 =	vshrl.u32 v12, $0x10;
	(xrf1) =	vunique.msk.u32 $0xffff, v18  }
0x65: {  	v13 =	vshrl.u32 v13, $0x10;
	v11 =	vxor.u32 v11, v21;
	_, v21, vm3 =	vpop (xrf1);
	(xrf1) =	vunique.msk.u32 $0xffff, v12  }
0x66: {  	v11 =	vshrl.u32 v11, $0x10;
	_, v22, vm4 =	vpop (xrf1);
	(xrf1) =	vunique.msk.u32 $0xffff, v13  }
0x67: {  	_, v23, vm5 =	vpop (xrf1);
	(xrf1) =	vunique.msk.u32 $0xffff, v11;
	_ =	sdelay $0x2  }
0x68: {  	[tilespmem:v1+s12+$0x0] =	vst.idx.add.s32.msk vm0, v10;
	_, v25, vm6 =	vpop (xrf1)  }
0x69: {  	[tilespmem:v2+s12+$0x0] =	vst.idx.add.s32.msk vm1, v19;
	_, v26, vm7 =	vpop (xrf1)  }
0x6a: {  	[tilespmem:v3+s12+$0x0] =	vst.idx.add.s32.msk vm2, v20;
	_, v1, vm0 =	vpop (xrf1)  }
0x6b: {  	[tilespmem:v4+s12+$0x0] =	vst.idx.add.s32.msk vm3, v21;
	_, v2, vm1 =	vpop (xrf1)  }
0x6c: {  	[tilespmem:v5+s12+$0x0] =	vst.idx.add.s32.msk vm4, v22;
	_, v3, vm2 =	vpop (xrf1)  }
0x6d: {  	[tilespmem:v7+s12+$0x0] =	vst.idx.add.s32.msk vm5, v23;
	_, v5, vm4 =	vpop (xrf1)  }
0x6e: {  	[tilespmem:v6+s12+$0x0] =	vst.idx.add.s32.msk vm6, v25;
	_, v4, vm3 =	vpop (xrf1)  }
0x6f: {  	[tilespmem:v9+s12+$0x0] =	vst.idx.add.s32.msk vm7, v26;
	_, v9, vm7 =	vpop (xrf1)  }
0x70: {  	[tilespmem:v14+s12+$0x0] =	vst.idx.add.s32.msk vm0, v1;
	_, v6, vm6 =	vpop (xrf1)  }
0x71: {  	[tilespmem:v8+s12+$0x0] =	vst.idx.add.s32.msk vm1, v2;
	_, v1, vm0 =	vpop (xrf1)  }
0x72: {  	[tilespmem:v17+s12+$0x0] =	vst.idx.add.s32.msk vm2, v3;
	_, v2, vm1 =	vpop (xrf1)  }
0x73: {  	[tilespmem:v16+s12+$0x0] =	vst.idx.add.s32.msk vm4, v5;
	_, v3, vm2 =	vpop (xrf1)  }
0x74: {  	s18 =	sshll.u32 s17, $0x1;
	[tilespmem:v24+s12+$0x0] =	vst.idx.add.s32.msk vm3, v4  }
0x75: {  	s19 =	smin.u32 s18, $0x5;
	[tilespmem:v15+s12+$0x0] =	vst.idx.add.s32.msk vm7, v9  }
0x76: {  	s19 =	sshll.u32 s19, $0xE;
	[tilespmem:v18+s12+$0x0] =	vst.idx.add.s32.msk vm6, v6  }
0x77: {  	s19 =	sadd.s32 s19, s7;
	[tilespmem:v12+s12+$0x0] =	vst.idx.add.s32.msk vm0, v1  }
0x78: {  	s19 =	sshrl.u32 s19, $0x3;
	[tilespmem:v13+s12+$0x0] =	vst.idx.add.s32.msk vm1, v2  }
0x79: {  	s20 =	simm.s32 $0x0;
	s19 =	sadd.s32 s2, s19;
	[tilespmem:v11+s12+$0x0] =	vst.idx.add.s32.msk vm2, v3  }
0x7a: {  	[tilespmem:s20], [sflag:$0x1] =	stream.linear.gather [hbm4b:s19+s20], $0x4000, $0x38;
	[tilespmem:$0x18000] =	vst v63  }
0x7b: {  	s26 =	simm.s32 $0x0;
	_ =	swait.ge [sflag:s13], $0x4000  }
0x7c: {  	s19 =	sand.u32 $0x380, s26;
	s20 =	sand.u32 $0x3C00, s20;
	[sflag:s13] =	ssyncset.done $0x0  }
0x7d: {  	s19 =	sor.u32 s19, s20;
	[sflag:s13] =	ssyncadd.s32 $0xFFFFC000  }
0x7e: {  	v1 =	vld [tilespmem:s19+$0x4020];
	_ =	sdelay $0x4  }
0x7f: {  	v2 =	vshra.s32 v1, $0x1F  }
0x80: {  	v2 =	vor.u32 $0x80000000, v2  }
0x81: {  	v3 =	vld [tilespmem:s19+$0x4000];
	v1 =	vxor.u32 v1, v2  }
0x82: {  	v4 =	vld [tilespmem:s19+$0x4010];
	v5 =	vshrl.u32 v1, $0x10  }
0x83: {  	(xrf1) =	vunique.msk.u32 $0xffff, v5  }
0x84: {  	v2 =	vld [tilespmem:s19+$0x4050];
	_ =	sdelay $0x1  }
0x85: {  	v6 =	vld [tilespmem:s19+$0x4070]  }
0x86: {  	v7 =	vld [tilespmem:s19+$0x4060];
	v8 =	vshra.s32 v4, $0x1F;
	v1 =	vshra.s32 v3, $0x1F  }
0x87: {  	v9 =	vld [tilespmem:s19+$0x4040];
	v8 =	vor.u32 $0x80000000, v8;
	v1 =	vor.u32 $0x80000000, v1  }
0x88: {  	v1 =	vxor.u32 v3, v1;
	v3 =	vxor.u32 v4, v8;
	v10 =	vshra.s32 v2, $0x1F  }
0x89: {  	v17 =	vshrl.u32 v3, $0x10;
	v4 =	vor.u32 $0x80000000, v10  }
0x8a: {  	s28 =	simm.s32 $0x8;
	s21 =	simm.s32 $0x400;
	v3 =	vshra.s32 v6, $0x1F;
	v1 =	vshrl.u32 v1, $0x10;
	v2 =	vxor.u32 v2, v4  }
0x8b: {  	s29 =	sand.u32 $0x380, s28;
	s30 =	sand.u32 $0x3C00, s21;
	(xrf1) =	vunique.msk.u32 $0xffff, v17;
	v4 =	vshra.s32 v7, $0x1F;
	v16 =	vshrl.u32 v2, $0x10;
	v2 =	vor.u32 $0x80000000, v3;
	v3 =	vld [tilespmem:s19+$0x4030]  }
0x8c: {  	v4 =	vor.u32 $0x80000000, v4;
	s19 =	sor.u32 s29, s30;
	v2 =	vxor.u32 v6, v2;
	(xrf1) =	vunique.msk.u32 $0xffff, v16;
	v6 =	vshra.s32 v9, $0x1F  }
0x8d: {  	v4 =	vxor.u32 v7, v4;
	v20 =	vshrl.u32 v2, $0x10;
	(xrf1) =	vunique.msk.u32 $0xffff, v1;
	v2 =	vor.u32 $0x80000000, v6;
	v6 =	vld [tilespmem:s19+$0x4020]  }
0x8e: {  	v19 =	vshrl.u32 v4, $0x10;
	(xrf1) =	vunique.msk.u32 $0xffff, v20  }
0x8f: {  	v2 =	vxor.u32 v9, v2;
	(xrf1) =	vunique.msk.u32 $0xffff, v19  }
0x90: {  	v7 =	vld [tilespmem:s19+$0x4010];
	v25 =	vshrl.u32 v2, $0x10;
	v2 =	vshra.s32 v3, $0x1F;
	_, v10, vm0 =	vpop (xrf1)  }
0x91: {  	v12 =	vld [tilespmem:s19+$0x4060];
	v2 =	vor.u32 $0x80000000, v2  }
0x92: {  	v15 =	vld [tilespmem:s19+$0x4070];
	v2 =	vxor.u32 v3, v2;
	v3 =	vshra.s32 v6, $0x1F  }
0x93: {  	v4 =	vld [tilespmem:s19+$0x4000];
	(xrf1) =	vunique.msk.u32 $0xffff, v25;
	v3 =	vor.u32 $0x80000000, v3  }
0x94: {  	v11 =	vld [tilespmem:s19+$0x4050];
	v2 =	vshrl.u32 v2, $0x10;
	v3 =	vxor.u32 v6, v3  }
0x95: {  	v9 =	vld [tilespmem:s19+$0x4040];
	(xrf1) =	vunique.msk.u32 $0xffff, v2;
	v3 =	vshrl.u32 v3, $0x10  }
0x96: {  	(xrf1) =	vunique.msk.u32 $0xffff, v3;
	[tilespmem:v5+s12+$0x0] =	vst.idx.add.s32.msk vm0, v10;
	v10 =	vshra.s32 v12, $0x1F  }
0x97: {  	s20 =	simm.s32 $0x800;
	v8 =	vld [tilespmem:s19+$0x4030];
	s19 =	simm.s32 $0x10;
	v22 =	vor.u32 $0x80000000, v10;
	v10 =	vshra.s32 v15, $0x1F  }
0x98: {  	s22 =	sand.u32 $0x3C00, s20;
	s31 =	sand.u32 $0x380, s19;
	v14 =	vshra.s32 v7, $0x1F;
	v13 =	vshra.s32 v4, $0x1F  }
0x99: {  	s21 =	sor.u32 s31, s22;
	v6 =	vor.u32 $0x80000000, v13;
	v13 =	vor.u32 $0x80000000, v14;
	v14 =	vshra.s32 v11, $0x1F;
	_, v21, vm1 =	vpop (xrf1)  }
0x9a: {  	v18 =	vld [tilespmem:s21+$0x4000];
	v6 =	vxor.u32 v4, v6;
	v4 =	vxor.u32 v7, v13;
	v13 =	vshra.s32 v9, $0x1F;
	_, v24, vm3 =	vpop (xrf1)  }
0x9b: {  	v23 =	vld [tilespmem:s21+$0x4010];
	v5 =	vor.u32 $0x80000000, v14;
	v14 =	vor.u32 $0x80000000, v13;
	v13 =	vor.u32 $0x80000000, v10;
	_, v10, vm0 =	vpop (xrf1)  }
0x9c: {  	v26 =	vld [tilespmem:s21+$0x4020];
	v7 =	vshra.s32 v8, $0x1F;
	v4 =	vshrl.u32 v4, $0x10;
	v5 =	vxor.u32 v11, v5;
	_, v27, vm2 =	vpop (xrf1)  }
0x9d: {  	v29 =	vld [tilespmem:s21+$0x4050];
	v7 =	vor.u32 $0x80000000, v7;
	(xrf1) =	vunique.msk.u32 $0xffff, v4;
	v5 =	vshrl.u32 v5, $0x10;
	_, v28, vm14 =	vpop (xrf1)  }
0x9e: {  	v8 =	vxor.u32 v8, v7;
	v7 =	vshrl.u32 v6, $0x10;
	v11 =	vld [tilespmem:s21+$0x4030];
	v6 =	vxor.u32 v15, v13;
	(xrf1) =	vunique.msk.u32 $0xffff, v5  }
0x9f: {  	v14 =	vxor.u32 v9, v14;
	v12 =	vxor.u32 v12, v22;
	v13 =	vld [tilespmem:s21+$0x4040];
	v6 =	vshrl.u32 v6, $0x10;
	(xrf1) =	vunique.msk.u32 $0xffff, v7  }
0xa0: {  	v22 =	vshra.s32 v23, $0x1F;
	v15 =	vshra.s32 v18, $0x1F;
	v9 =	vshrl.u32 v12, $0x10;
	v12 =	vld [tilespmem:s21+$0x4060];
	(xrf1) =	vunique.msk.u32 $0xffff, v6  }
0xa1: {  	v14 =	vshrl.u32 v14, $0x10;
	[tilespmem:v17+s12+$0x0] =	vst.idx.add.s32.msk vm1, v21;
	v15 =	vor.u32 $0x80000000, v15;
	(xrf1) =	vunique.msk.u32 $0xffff, v9;
	_, v30, vm15 =	vpop (xrf1)  }
0xa2: {  	v15 =	vxor.u32 v18, v15;
	v18 =	vor.u32 $0x80000000, v22;
	v22 =	vshra.s32 v26, $0x1F;
	[tilespmem:v16+s12+$0x0] =	vst.idx.add.s32.msk vm3, v24  }
0xa3: {  	v16 =	vxor.u32 v23, v18;
	v23 =	vor.u32 $0x80000000, v22;
	(xrf1) =	vunique.msk.u32 $0xffff, v14;
	[tilespmem:v19+s12+$0x0] =	vst.idx.add.s32.msk vm14, v28;
	_, v19, vm1 =	vpop (xrf1)  }
0xa4: {  	v8 =	vshrl.u32 v8, $0x10;
	v21 =	vshra.s32 v29, $0x1F;
	v23 =	vxor.u32 v26, v23;
	[tilespmem:v20+s12+$0x0] =	vst.idx.add.s32.msk vm2, v27;
	_, v20, vm2 =	vpop (xrf1)  }
0xa5: {  	v22 =	vshra.s32 v11, $0x1F;
	v16 =	vshrl.u32 v16, $0x10;
	v17 =	vshrl.u32 v23, $0x10;
	(xrf1) =	vunique.msk.u32 $0xffff, v8  }
0xa6: {  	v18 =	vld [tilespmem:s21+$0x4070];
	v24 =	vshra.s32 v13, $0x1F;
	v26 =	vshra.s32 v12, $0x1F;
	v23 =	vor.u32 $0x80000000, v21;
	(xrf1) =	vunique.msk.u32 $0xffff, v17  }
0xa7: {  	v21 =	vor.u32 $0x80000000, v24;
	v24 =	vxor.u32 v29, v23;
	v23 =	vor.u32 $0x80000000, v26;
	[tilespmem:v25+s12+$0x0] =	vst.idx.add.s32.msk vm15, v30  }
.LBB2_7:
0xa8: {  	s19 =	sadd.s32 $0x8, s19;
	v22 =	vor.u32 $0x80000000, v22;
	s20 =	sadd.s32 $0x400, s20;
	[tilespmem:v1+s12+$0x0] =	vst.idx.add.s32.msk vm0, v10;
	v1 =	vmovc v7;
	v25 =	vmovc v14;
	v26 =	vmov v4;
	v4 =	vmov v16  }
0xa9: {  	s21 =	sand.u32 $0x380, s19;
	s22 =	sand.u32 $0x3C00, s20;
	p0 =	slt.u32 s19, $0x3F8;
	v14 =	vxor.u32 v11, v22;
	[tilespmem:v2+s12+$0x0] =	vst.idx.add.s32.msk vm1, v19;
	v2 =	vmov v8  }
0xaa: {  	s21 =	sor.u32 s21, s22;
	[tilespmem:v3+s12+$0x0] =	vst.idx.add.s32.msk vm2, v20;
	v3 =	vmov v17  }
0xab: {  	v16 =	vld [tilespmem:s21+$0x4000];
	_, v17, vm3 =	vpop (xrf1)  }
0xac: {  	v7 =	vshra.s32 v18, $0x1F;
	v19 =	vld [tilespmem:s21+$0x4010];
	_, v20, vm1 =	vpop (xrf1)  }
0xad: {  	v22 =	vshrl.u32 v24, $0x10;
	v8 =	vor.u32 $0x80000000, v7;
	v27 =	vld [tilespmem:s21+$0x4020];
	(xrf1) =	vunique.msk.u32 $0xffff, v4;
	_, v10, vm0 =	vpop (xrf1)  }
0xae: {  	v7 =	vshrl.u32 v15, $0x10;
	v15 =	vxor.u32 v18, v8;
	v11 =	vld [tilespmem:s21+$0x4030];
	(xrf1) =	vunique.msk.u32 $0xffff, v22;
	_, v24, vm4 =	vpop (xrf1)  }
0xaf: {  	v12 =	vxor.u32 v12, v23;
	v8 =	vshrl.u32 v14, $0x10;
	v23 =	vshrl.u32 v15, $0x10;
	v28 =	vld [tilespmem:s21+$0x4040];
	(xrf1) =	vunique.msk.u32 $0xffff, v7;
	_, v29, vm5 =	vpop (xrf1)  }
0xb0: {  	v13 =	vxor.u32 v13, v21;
	v31 =	vshrl.u32 v12, $0x10;
	v14 =	vshra.s32 v16, $0x1F;
	v30 =	vld [tilespmem:s21+$0x4050];
	(xrf1) =	vunique.msk.u32 $0xffff, v23  }
0xb1: {  	v15 =	vor.u32 $0x80000000, v14;
	v18 =	vshra.s32 v19, $0x1F;
	v12 =	vld [tilespmem:s21+$0x4060];
	v14 =	vshrl.u32 v13, $0x10;
	(xrf1) =	vunique.msk.u32 $0xffff, v31;
	_, v32, vm6 =	vpop (xrf1)  }
0xb2: {  	v15 =	vxor.u32 v16, v15;
	v13 =	vor.u32 $0x80000000, v18;
	v16 =	vshra.s32 v27, $0x1F;
	[tilespmem:v5+s12+$0x0] =	vst.idx.add.s32.msk vm1, v20;
	v5 =	vmovc v22  }
.Ltmp2:
0xb3: {  	v34 =	vxor.u32 v19, v13;
	v33 =	vor.u32 $0x80000000, v16;
	v22 =	vshra.s32 v11, $0x1F;
	v18 =	vld [tilespmem:s21+$0x4070];
	(xrf1) =	vunique.msk.u32 $0xffff, v14;
	_, v19, vm1 =	vpop (xrf1);
	(pc) =	sbr.rel @p0 .LBB2_7-.Ltmp2, $4  }
0xb4: {  	v16 =	vshrl.u32 v34, $0x10;
	v27 =	vxor.u32 v27, v33;
	v21 =	vshra.s32 v28, $0x1F;
	_, v20, vm2 =	vpop (xrf1);
	[tilespmem:v26+s12+$0x0] =	vst.idx.add.s32.msk vm3, v17  }
0xb5: {  	v17 =	vshrl.u32 v27, $0x10;
	v26 =	vshra.s32 v30, $0x1F;
	(xrf1) =	vunique.msk.u32 $0xffff, v8;
	[tilespmem:v9+s12+$0x0] =	vst.idx.add.s32.msk vm5, v29;
	v13 =	vmovc v28  }
0xb6: {  	v27 =	vor.u32 $0x80000000, v26;
	v26 =	vshra.s32 v12, $0x1F;
	(xrf1) =	vunique.msk.u32 $0xffff, v17;
	[tilespmem:v6+s12+$0x0] =	vst.idx.add.s32.msk vm4, v24;
	v6 =	vmovc v23  }
0xb7: {  	v21 =	vor.u32 $0x80000000, v21;
	v9 =	vmovc v31;
	v24 =	vxor.u32 v30, v27;
	v23 =	vor.u32 $0x80000000, v26;
	[tilespmem:v25+s12+$0x0] =	vst.idx.add.s32.msk vm6, v32  }
0xb8: {  	v25 =	vshra.s32 v18, $0x1F  }
0xb9: {  	v24 =	vshrl.u32 v24, $0x10;
	(xrf1) =	vunique.msk.u32 $0xffff, v16;
	v25 =	vor.u32 $0x80000000, v25  }
0xba: {  	v15 =	vshrl.u32 v15, $0x10;
	(xrf1) =	vunique.msk.u32 $0xffff, v24;
	v58 =	vxor.u32 v18, v25  }
0xbb: {  	v12 =	vxor.u32 v12, v23;
	(xrf1) =	vunique.msk.u32 $0xffff, v15;
	v18 =	vshrl.u32 v58, $0x10  }
0xbc: {  	v13 =	vxor.u32 v13, v21;
	v59 =	vor.u32 $0x80000000, v22;
	v12 =	vshrl.u32 v12, $0x10;
	(xrf1) =	vunique.msk.u32 $0xffff, v18  }
0xbd: {  	v13 =	vshrl.u32 v13, $0x10;
	v11 =	vxor.u32 v11, v59;
	(xrf1) =	vunique.msk.u32 $0xffff, v12  }
0xbe: {  	v11 =	vshrl.u32 v11, $0x10;
	_, v60, vm3 =	vpop (xrf1);
	(xrf1) =	vunique.msk.u32 $0xffff, v13  }
0xbf: {  	_, v61, vm4 =	vpop (xrf1);
	(xrf1) =	vunique.msk.u32 $0xffff, v11;
	_ =	sdelay $0x1  }
0xc0: {  	_, v62, vm5 =	vpop (xrf1)  }
0xc1: {  	[tilespmem:v1+s12+$0x0] =	vst.idx.add.s32.msk vm0, v10;
	_, v63, vm6 =	vpop (xrf1)  }
0xc2: {  	[tilespmem:v2+s12+$0x0] =	vst.idx.add.s32.msk vm1, v19;
	_, v26, vm7 =	vpop (xrf1)  }
0xc3: {  	[tilespmem:v3+s12+$0x0] =	vst.idx.add.s32.msk vm2, v20;
	_, v1, vm0 =	vpop (xrf1)  }
0xc4: {  	[tilespmem:v4+s12+$0x0] =	vst.idx.add.s32.msk vm3, v60;
	_, v2, vm1 =	vpop (xrf1)  }
0xc5: {  	[tilespmem:v5+s12+$0x0] =	vst.idx.add.s32.msk vm4, v61;
	_, v3, vm2 =	vpop (xrf1)  }
0xc6: {  	[tilespmem:v7+s12+$0x0] =	vst.idx.add.s32.msk vm5, v62;
	_, v5, vm4 =	vpop (xrf1)  }
0xc7: {  	[tilespmem:v6+s12+$0x0] =	vst.idx.add.s32.msk vm6, v63;
	_, v4, vm3 =	vpop (xrf1)  }
0xc8: {  	[tilespmem:v9+s12+$0x0] =	vst.idx.add.s32.msk vm7, v26;
	_, v9, vm7 =	vpop (xrf1)  }
0xc9: {  	[tilespmem:v14+s12+$0x0] =	vst.idx.add.s32.msk vm0, v1;
	_, v6, vm6 =	vpop (xrf1)  }
0xca: {  	[tilespmem:v8+s12+$0x0] =	vst.idx.add.s32.msk vm1, v2;
	_, v1, vm0 =	vpop (xrf1)  }
0xcb: {  	[tilespmem:v17+s12+$0x0] =	vst.idx.add.s32.msk vm2, v3;
	_, v2, vm1 =	vpop (xrf1)  }
0xcc: {  	[tilespmem:v16+s12+$0x0] =	vst.idx.add.s32.msk vm4, v5;
	_, v3, vm2 =	vpop (xrf1)  }
0xcd: {  	s17 =	sadd.s32 $0x1, s17;
	[tilespmem:v24+s12+$0x0] =	vst.idx.add.s32.msk vm3, v4  }
0xce: {  	s18 =	smin.u32 s18, $0x4;
	p0 =	sne.s32 s17, $0x4;
	[tilespmem:v15+s12+$0x0] =	vst.idx.add.s32.msk vm7, v9  }
.Ltmp3:
0xcf: {  	s18 =	sshll.u32 s18, $0xE;
	[tilespmem:v18+s12+$0x0] =	vst.idx.add.s32.msk vm6, v6;
	(pc) =	sbr.rel @p0 .LBB2_4-.Ltmp3, $4  }
0xd0: {  	s18 =	sadd.s32 s18, s8;
	[tilespmem:v12+s12+$0x0] =	vst.idx.add.s32.msk vm0, v1  }
0xd1: {  	s18 =	sshrl.u32 s18, $0x3;
	[tilespmem:v13+s12+$0x0] =	vst.idx.add.s32.msk vm1, v2  }
0xd2: {  	s18 =	sadd.s32 s2, s18;
	[tilespmem:v11+s12+$0x0] =	vst.idx.add.s32.msk vm2, v3  }
0xd3: {  	[tilespmem:s11], [sflag:$0x2] =	stream.linear.gather [hbm4b:s18+s3], $0x4000, $0x38;
	[tilespmem:$0x18000] =	vst v63  }
0xd4: {  	_ =	swait.ge [sflag:s4], $0x4000  }
0xd5: {  	[sflag:s4] =	ssyncset.done $0x0  }
0xd6: {  	[sflag:s4] =	ssyncadd.s32 $0xFFFFC000  }
0xd7: {  	s15 =	sadd.s32 $0x1, s15;
	_ =	swait.ge [sflag:s13], $0x4000  }
0xd8: {  	p0 =	sne.s32 s15, s10;
	[sflag:s13] =	ssyncset.done $0x0  }
.Ltmp4:
0xd9: {  	[sflag:s13] =	ssyncadd.s32 $0xFFFFC000;
	(pc) =	sbr.rel @p0 .LBB2_1-.Ltmp4, $4  }
0xda: {  	[hbm4b:s9+s3] =	stream.linear.scatter [tilespmem:s12], [sflag:$0x3], $0x10000, $0x38;
	[tilespmem:$0x18000] =	vst v63  }
0xdb: {  	_ =	swait.ge [sflag:s14], $0x10000  }
0xdc: {  	[sflag:s14] =	ssyncset.done $0x0  }
0xdd: {  	[sflag:s14] =	ssyncadd.s32 $0xFFFF0000  }
0xde: {  	_ =	sfence.sel $0x180000  }
0xdf: {  	[bflag:$0x0] =	sbarrier.arrive $0xFFFF  }
0xe0: {  	p0 =	sne.s32 s0, $0x0;
	_ =	strace $0x90000047  }
0xe1: {  	s0 =	sadd.s32 @!p0 $0x100000, s1;
	[bflag:$0x2] =	sbarrier.arrive $0xFFFF  }
0xe2: {  	[sflag:s0] =	ssyncadd.tile.s32 @!p0 $0x1;
	_ =	shalt  }
.Lfunc_end2:
_tile_overlayer_lowered:
.L_overlay_start_2:
0xe3: {  	(tag) =	ssettag $0x2  }
0xe4: {  	s0 =	rddreg [dreg:$0x0];
	s2 =	stileid.u32  }
0xe5: {  	s1 =	rddreg [dreg:$0x1];
	p0 =	sne.s32 s2, $0x0  }
0xe6: {  	s3 =	rddreg [dreg:$0x2];
	[bflag:$0x3] =	sbarrier.arrive $0xFFFF;
	s2 =	simm.s32 @!p0 $0x1C03  }
0xe7: {  	[timem:s3], [sflag:s2] =	dma.local @!p0 [hbm:s0], s1  }
0xe8: {  	s0 =	simm.s32 @!p0 $0x3  }
0xe9: {  	_ =	swait.ge @!p0 [sflag:s0], s1  }
0xea: {  	s1 =	ssub.s32 @!p0 $0x0, s1;
	[sflag:s0] =	ssyncset.done @!p0 $0x0  }
0xeb: {  	[sflag:s0] =	ssyncadd.s32 @!p0 s1  }
0xec: {  	[bflag:$0x3] =	sbarrier.arrive $0xFFFF  }
0xed: {  	_ =	shalt  }

// kernel: kernel.9.cloned.1.call-start
scs
__scs_entry_jumppad:
0x0: {  	(pc) =	sbr.rel $0x88, $3  }
0x1: {  	(tag) =	ssettag $0x0;
	lr =	simm.s32 $0x1  }
0x2: {  	[smem:$0x3FA0] =	sst lr;
	_ =	strace $0xD0000000  }
0x3: {  	_ = 	snop  }
0x4: {  	_ = 	snop  }
0x5: {  	_ = 	snop  }
0x6: {  	_ = 	snop  }
0x7: {  	_ = 	snop  }
__scs_overlays_trampoline_lowered:
0x8: {  	[smem:$0x3FAF] =	sst s0  }
0x9: {  	[smem:$0x3FB0] =	sst s1  }
0xa: {  	[smem:$0x3FB1] =	sst s2  }
0xb: {  	[smem:$0x3FB2] =	sst s3  }
0xc: {  	[smem:$0x3FB3] =	sst s4  }
0xd: {  	[smem:$0x3FB4] =	sst s5  }
0xe: {  	[smem:$0x3FB5] =	sst s6  }
0xf: {  	[smem:$0x3FB6] =	sst s7  }
0x10: {  	[smem:$0x3FB7] =	sst s8  }
0x11: {  	[smem:$0x3FB8] =	sst s9;
	s0 =	simm.s32 @!p0 $0x0  }
0x12: {  	s1 =	sld [smem:$0x3F9E];
	s0 =	simm.s32 @p0 $0x1  }
0x13: {  	[smem:$0x3FB9] =	sst s0;
	s0 =	simm.s32 @!p1 $0x0  }
0x14: {  	s2 =	sld [smem:$0x3F9D];
	s0 =	simm.s32 @p1 $0x1  }
0x15: {  	[smem:$0x3FBA] =	sst s0;
	s0 =	simm.s32 @!p2 $0x0  }
0x16: {  	s3 =	sld [smem:$0x3FDB];
	s0 =	simm.s32 @p2 $0x1  }
0x17: {  	s4 =	simm.s32 $0x1BF5;
	[smem:$0x3FBC] =	sst s0  }
0x18: {  	s0 =	sld [smem:$0x3F9F];
	_ =	swait.ge [sflag:s4], $0x0  }
0x19: {  	s7 =	sld [smem:$0x3FA0]  }
0x1a: {  	s8 =	sadd.s32 $0xFFFFE003, lr  }
0x1b: {  	s9 =	sadd.s32 $0xFFFFFEF7, lr;
	s5 =	simm.s32 $0xFFFFFFFF;
	p2 =	slt.u32 s8, $0xFFFFF086  }
0x1c: {  	p1 =	slt.u32 s9, $0xF7A;
	s5 =	simm.s32 @!p2 $0x0  }
0x1d: {  	s5 =	simm.s32 @p1 $0x1;
	p0 =	seq.s32 s7, s2  }
0x1e: {  	s7 =	smul.u32 @!p0 $0xF7A, s2;
	p2 =	seq.s32 @!p0 s5, $0x0  }
0x1f: {  	s9 =	smul.u32 $0xF7A, s1;
	s8 =	simm.s32 @!p0 $0x1BF5;
	p2 =	por !p2, p0  }
0x20: {  	[sflag:s8] =	ssyncset.s32 @!p0 $0xFFFFF086;
	s6 =	sadd.s32 @!p0 s3, s7;
	s7 =	simm.s32 @!p0 $0x108  }
0x21: {  	s3 =	sadd.s32 s3, s9;
	s6 =	sadd.s32 @!p0 $0x88, s6;
	s7 =	simm.s32 @p2 $0x1082  }
0x22: {  	[simem:s7], [sflag:s8] =	dma.local @!p0 [hbm:s6], $0xF7A  }
0x23: {  	s9 =	sor.u32 $0xD0000000, s2;
	s6 =	simm.s32 $0x108;
	_ =	swait.ge @!p0 [sflag:s8], $0x0  }
0x24: {  	s3 =	sadd.s32 $0x88, s3;
	s6 =	simm.s32 @!p1 $0x1082;
	[sflag:s4] =	ssyncset.s32 $0xFFFFF086  }
0x25: {  	[simem:s6], [sflag:s4] =	dma.local [hbm:s3], $0xF7A  }
0x26: {  	[smem:$0x3FA0] =	sst s1;
	(tag) =	ssettag s2;
	_ =	strace s9  }
0x27: {  	s1 =	sld [smem:$0x3FB0]  }
0x28: {  	s2 =	sld [smem:$0x3FB1]  }
0x29: {  	s4 =	sld [smem:$0x3FB3]  }
0x2a: {  	p0 =	seq.s32 s5, $0x0;
	s5 =	sld [smem:$0x3FB4]  }
0x2b: {  	s6 =	sld [smem:$0x3FB5]  }
0x2c: {  	s7 =	sld [smem:$0x3FB6]  }
0x2d: {  	s3 =	simm.s32 $0x108;
	s8 =	sld [smem:$0x3FB7]  }
0x2e: {  	s3 =	simm.s32 @!p0 $0x1082;
	s9 =	sld [smem:$0x3FB8]  }
0x2f: {  	lr =	sadd.s32 s0, s3;
	s0 =	sld [smem:$0x3FAF]  }
0x30: {  	s3 =	sld [smem:$0x3FB2]  }
0x31: {  	[smem:$0x3FBB] =	sst s10  }
0x32: {  	s10 =	sld [smem:$0x3FB9];
	_ =	sdelay $0x3  }
0x33: {  	p0 =	seq.s32 s10, $0x1;
	s10 =	sld [smem:$0x3FBB];
	_ =	sdelay $0x3  }
0x34: {  	[smem:$0x3FBB] =	sst s10  }
0x35: {  	s10 =	sld [smem:$0x3FBA];
	_ =	sdelay $0x3  }
0x36: {  	p1 =	seq.s32 s10, $0x1;
	s10 =	sld [smem:$0x3FBB];
	_ =	sdelay $0x3  }
0x37: {  	[smem:$0x3FBB] =	sst s10  }
0x38: {  	s10 =	sld [smem:$0x3FBC]  }
0x39: {  	_ = 	snop;
	(pc) =	sbr.ind lr, $3  }
0x3a: {  	_ = 	snop  }
0x3b: {  	_ = 	snop  }
0x3c: {  	p2 =	seq.s32 s10, $0x1;
	s10 =	sld [smem:$0x3FBB]  }
0x3d: {  	_ =	shalt  }
0x3e: {  	_ =	shalt  }
0x3f: {  	_ =	shalt  }
0x40: {  	_ =	shalt  }
0x41: {  	_ =	shalt  }
0x42: {  	_ =	shalt  }
0x43: {  	_ =	shalt  }
0x44: {  	_ =	shalt  }
0x45: {  	_ =	shalt  }
0x46: {  	_ =	shalt  }
0x47: {  	_ =	shalt  }
0x48: {  	_ =	shalt  }
0x49: {  	_ =	shalt  }
0x4a: {  	_ =	shalt  }
0x4b: {  	_ =	shalt  }
0x4c: {  	_ =	shalt  }
0x4d: {  	_ =	shalt  }
0x4e: {  	_ =	shalt  }
0x4f: {  	_ =	shalt  }
0x50: {  	_ =	shalt  }
0x51: {  	_ =	shalt  }
0x52: {  	_ =	shalt  }
0x53: {  	_ =	shalt  }
0x54: {  	_ =	shalt  }
0x55: {  	_ =	shalt  }
0x56: {  	_ =	shalt  }
0x57: {  	_ =	shalt  }
0x58: {  	_ =	shalt  }
0x59: {  	_ =	shalt  }
0x5a: {  	_ =	shalt  }
0x5b: {  	_ =	shalt  }
0x5c: {  	_ =	shalt  }
0x5d: {  	_ =	shalt  }
0x5e: {  	_ =	shalt  }
0x5f: {  	_ =	shalt  }
0x60: {  	_ =	shalt  }
0x61: {  	_ =	shalt  }
0x62: {  	_ =	shalt  }
0x63: {  	_ =	shalt  }
0x64: {  	_ =	shalt  }
0x65: {  	_ =	shalt  }
0x66: {  	_ =	shalt  }
0x67: {  	_ =	shalt  }
0x68: {  	_ =	shalt  }
0x69: {  	_ =	shalt  }
0x6a: {  	_ =	shalt  }
0x6b: {  	_ =	shalt  }
0x6c: {  	_ =	shalt  }
0x6d: {  	_ =	shalt  }
0x6e: {  	_ =	shalt  }
0x6f: {  	_ =	shalt  }
0x70: {  	_ =	shalt  }
0x71: {  	_ =	shalt  }
0x72: {  	_ =	shalt  }
0x73: {  	_ =	shalt  }
0x74: {  	_ =	shalt  }
0x75: {  	_ =	shalt  }
0x76: {  	_ =	shalt  }
0x77: {  	_ =	shalt  }
0x78: {  	_ =	shalt  }
0x79: {  	_ =	shalt  }
0x7a: {  	_ =	shalt  }
0x7b: {  	_ =	shalt  }
0x7c: {  	_ =	shalt  }
0x7d: {  	_ =	shalt  }
0x7e: {  	_ =	shalt  }
0x7f: {  	_ =	shalt  }
0x80: {  	_ =	shalt  }
0x81: {  	_ =	shalt  }
0x82: {  	_ =	shalt  }
0x83: {  	_ =	shalt  }
0x84: {  	_ =	shalt  }
0x85: {  	_ =	shalt  }
0x86: {  	_ =	shalt  }
0x87: {  	_ =	shalt  }
.Lfunc_end0:
.L_simem_size_0:
called_computation.1_lowered:
.L_overlay_start_0:
0x88: {  	s2 =	sld [smem:$0x3FD9]  }
0x89: {  	s3 =	sld [smem:$0x3FFE];
	_ =	sdelay $0x1  }
0x8a: {  	s1 =	srdreg.scid  }
0x8b: {  	s0 =	sand.u32 $0x1, s1  }
0x8c: {  	s17 =	sshll.u32 s0, $0xA;
	s2 =	sadd.s32 s3, s2  }
0x8d: {  	s2 =	sadd.s32 s2, s17  }
0x8e: {  	[smem:$0x3FC7] =	sst s2  }
0x8f: {  	_ = 	snop  }
0x90: {  	s2 =	sld [smem:$0x3FC9]  }
0x91: {  	s18 =	sld [smem:$0x3FD0];
	(tm) =	ssettm $0x1  }
0x92: {  	s4 =	sld [smem:$0x3FFB];
	_ =	sdelay $0x3  }
0x93: {  	_ =	strace s4  }
0x94: {  	s4 =	sld [smem:$0x3FFC];
	_ =	sdelay $0x3  }
0x95: {  	_ =	strace s4  }
0x96: {  	s4 =	sld [smem:$0x3FFD];
	_ =	sdelay $0x3  }
0x97: {  	_ =	strace s4  }
0x98: {  	_ =	strace $0x8FFFFFFF  }
0x99: {  	s19 =	sld [smem:$0x3FDB];
	_ =	sdelay $0x1  }
0x9a: {  	s5 =	simm.s32 $_scs_section_size  }
0x9b: {  	s6 =	simm.s32 $_size__tile_overlayer_lowered;
	s7 =	simm.s32 $_tile_overlayer_lowered  }
0x9c: {  	s22 =	simm.s32 $0x1BFF;
	s21 =	sshll.u32 s7, $0x1;
	s4 =	sadd.s32 s5, s19  }
0x9d: {  	s8 =	simm.s32 $0x0;
	s20 =	sshll.u32 s6, $0x1;
	s6 =	sadd.s32 s21, s4  }
0x9e: {  	[timem:s8], [sflag:s22] =	dma.local [hbm:s6], s20  }
0x9f: {  	_ =	swait.ge [sflag:s22], s20  }
0xa0: {  	s5 =	ssub.s32 $0x0, s20;
	[sflag:s22] =	ssyncset.done $0x0  }
0xa1: {  	[sflag:s22] =	ssyncadd.s32 s5;
	_ =	sdelay $0x1  }
0xa2: {  	s23 =	simm.s32 $0x1B8B  }
0xa3: {  	_ =	swait.ge [sflag:s23], $0x1  }
0xa4: {  	[sflag:s23] =	ssyncset.done $0x0  }
0xa5: {  	s25 =	simm.s32 $0x1B8E;
	s24 =	sld [smem:$0x3FFE];
	[sflag:s23] =	ssyncadd.s32 $0xFFFFFFFF  }
0xa6: {  	s26 =	simm.s32 $execute0_lowered;
	[smem:$0x3FD2] =	sst s25  }
0xa7: {  	s6 =	sshll.u32 s26, $0x1;
	_ =	strace $0x80000049;
	[dreg:$0x1] =	wrdreg $0xFFFFFFFF  }
0xa8: {  	s28 =	simm.s32 $_size_execute0_lowered;
	s4 =	sadd.s32 s4, s6;
	[dreg:$0x0] =	wrdreg $0x0  }
0xa9: {  	s6 =	sshll.u32 s28, $0x1;
	[dreg:$0x2] =	wrdreg s4  }
0xaa: {  	[dreg:$0x3] =	wrdreg s6  }
0xab: {  	[dreg:$0x4] =	wrdreg $0xC0  }
0xac: {  	_ =	task [dreg:s8], $0x5FFFF  }
0xad: {  	[dreg:$0x1] =	wrdreg $0xFFFFFFFF  }
0xae: {  	[dreg:$0x0] =	wrdreg $0x60  }
0xaf: {  	[dreg:$0x2] =	wrdreg s2  }
0xb0: {  	[dreg:$0x3] =	wrdreg s24  }
0xb1: {  	[dreg:$0x4] =	wrdreg s18  }
0xb2: {  	[dreg:$0x5] =	wrdreg $0x9  }
0xb3: {  	_ =	task.clear_ibuf [dreg:s8], $0x6FFFF;
	_ =	strace $0x90000049  }
0xb4: {  	s29 =	simm.s32 $0x9;
	_ =	strace $0x8000004B  }
0xb5: {  	_ =	swait.ge [sflag:s29], $0x1  }
0xb6: {  	[sflag:s29] =	ssyncadd.s32 $0xFFFFFFFF  }
0xb7: {  	_ =	strace $0x9000004B  }
0xb8: {  	_ =	sfence  }
0xb9: {  	s30 =	sld [smem:$0x0];
	_ =	sdelay $0x2  }
0xba: {  	s31 =	sshll.u32 s1, $0xD;
	s1 =	sshrl.u32 s1, $0x2  }
0xbb: {  	s3 =	sand.u32 $0x4000, s31;
	s1 =	sadd.s32 s1, s30  }
0xbc: {  	s0 =	sor.u32 s3, s0;
	s1 =	sshll.u32 s1, $0x11  }
0xbd: {  	s0 =	sor.u32 s1, s0  }
0xbe: {  	s0 =	sadd.s32 $0x8F2B, s0  }
0xbf: {  	[sflag:s0] =	ssyncadd.remote.s32 $0x1  }
0xc0: {  	_ =	sfence.sel $0xFFFF  }
0xc1: {  	[dreg:$0x0] =	wrdreg $0xFFFFFFFF;
	(pc) =	sbr.abs _section_cstart, $3  }
0xc2: {  	[dreg:$0x1] =	wrdreg $0xFFFFFFFF  }
0xc3: {  	_ =	task.clear_ibuf [dreg:s8], $0x2FFFF;
	_ =	strace $0x9FFFFFFF  }
0xc4: {  	(tm) =	ssettm $0x7FFFFFFF  }
0xc5: {  	_ =	shalt  }
tec
execute0_lowered:
.L_overlay_start_1:
0x0: {  	(tag) =	ssettag $0x1  }
0x1: {  	s1 =	rddreg [dreg:$0x0]  }
0x2: {  	s2 =	srdreg.scid;
	s4 =	rddreg [dreg:$0x1]  }
0x3: {  	s0 =	stileid.u32;
	s10 =	rddreg [dreg:$0x2];
	s3 =	simm.s32 $0x0  }
0x4: {  	s6 =	simm.s32 $0x1;
	s14 =	simm.s32 $0x3;
	s15 =	simm.s32 $0x8000  }
0x5: {  	s16 =	simm.s32 $0x2;
	s5 =	sand.u32 $0x1, s2;
	s28 =	sshll.u32 s0, $0x1  }
0x6: {  	s17 =	simm.s32 $0x0;
	s2 =	rddreg [dreg:$0x3];
	s9 =	sor.u32 s5, s28  }
0x7: {  	[smem:$0x7FF] =	sst s3;
	p1 =	seq.s32 s5, $0x1;
	p0 =	seq.s32 s9, $0x0  }
0x8: {  	s4 =	sadd.s32 $0x1000, s4;
	_ =	strace $0x8000004A;
	p0 =	por !p0, !p1  }
0x9: {  	s7 =	ssub.s32 $0x2, s5;
	s11 =	sshll.u32 s5, $0x11;
	p0 =	por !p0, !p0  }
0xa: {  	s5 =	sshll.u32 s5, $0xE;
	s8 =	sshrl.u32 s7, $0x1;
	s6 =	simm.s32 @!p0 $0x0  }
0xb: {  	s29 =	sadd.s32 s1, s5;
	s5 =	simm.s32 $0x1;
	s6 =	ssub.s32 s0, s6  }
0xc: {  	s13 =	sshll.u32 s9, $0xD;
	s12 =	ssub.s32 s7, s8;
	s6 =	sshll.u32 s6, $0x12  }
0xd: {  	s10 =	sadd.s32 s10, s13;
	s11 =	sor.u32 s6, s11;
	s6 =	sshrl.u32 s6, $0x3  }
0xe: {  	s13 =	simm.s32 $0x18000;
	s30 =	sshrl.u32 s11, $0x3;
	s6 =	sadd.s32 s6, s29  }
0xf: {  	s8 =	sor.u32 $0x8000, s11;
	s9 =	sor.u32 $0xC000, s11;
	s31 =	sadd.s32 s30, s1  }
0x10: {  	v0 =	vimm.s32 $0x0;
	s11 =	smax.u32 s12, $0x1;
	s12 =	simm.s32 $0x4000;
	s7 =	sadd.s32 $0x800, s31  }
.LBB2_1:
0x11: {  	[tilespmem:s3], [sflag:$0x1] =	stream.linear.gather [hbm4b:s6+s3], $0x4000, $0x38;
	[tilespmem:$0x18080] =	vst v63  }
0x12: {  	s18 =	simm.s32 $0x8040  }
0x13: {  	[tilespmem:s12], [sflag:$0x2] =	stream.linear.gather [hbm4b:s7+s3], $0x4000, $0x38;
	[tilespmem:$0x18080] =	vst v63  }
0x14: {  	[tilespmem:s18+$0xFFFFFFC0] =	vst v0  }
0x15: {  	[tilespmem:s18+$0x30] =	vst v0  }
0x16: {  	[tilespmem:s18+$0x20] =	vst v0  }
0x17: {  	[tilespmem:s18+$0x10] =	vst v0  }
0x18: {  	[tilespmem:s18+$0x0] =	vst v0  }
0x19: {  	[tilespmem:s18+$0xFFFFFFF0] =	vst v0  }
0x1a: {  	s19 =	simm.s32 $0x0;
	[tilespmem:s18+$0xFFFFFFE0] =	vst v0  }
.LBB2_2:
0x1b: {  	s19 =	sadd.s32 $0x8, s19;
	[tilespmem:s18+$0xFFFFFFD0] =	vst v0;
	s18 =	sadd.s32 $0x80, s18  }
0x1c: {  	[tilespmem:s18+$0xFFFFFFC0] =	vst v0;
	p0 =	slt.u32 s19, $0xFF8  }
0x1d: {  	[tilespmem:s18+$0x30] =	vst v0  }
.Ltmp0:
0x1e: {  	[tilespmem:s18+$0x20] =	vst v0;
	(pc) =	sbr.rel @p0 .LBB2_2-.Ltmp0, $4  }
0x1f: {  	[tilespmem:s18+$0x10] =	vst v0  }
0x20: {  	[tilespmem:s18+$0x0] =	vst v0  }
0x21: {  	[tilespmem:s18+$0xFFFFFFF0] =	vst v0  }
0x22: {  	[tilespmem:s18+$0xFFFFFFE0] =	vst v0  }
0x23: {  	[tilespmem:s18+$0xFFFFFFD0] =	vst v0;
	s18 =	simm.s32 $0x0  }
0x24: {  	[tilespmem:s13], [sflag:$0x3] =	stream.linear.gather [hbm4b:s4+s18], $0x10, $0x38;
	[tilespmem:$0x18080] =	vst v63  }
0x25: {  	_ =	swait.ge [sflag:s14], $0x10  }
0x26: {  	[sflag:s14] =	ssyncset.done $0x0  }
0x27: {  	[sflag:s14] =	ssyncadd.s32 $0xFFFFFFF0  }
0x28: {  	v1 =	vld [tilespmem:$0x18000];
	_ =	sdelay $0x2  }
0x29: {  	s19 =	simm.s32 $0x0  }
.LBB2_4:
0x2a: {  	_ =	swait.ge [sflag:s5], $0x4000;
	s20 =	simm.s32 $0x0  }
0x2b: {  	s21 =	sand.u32 $0x3C00, s18;
	[sflag:s5] =	ssyncset.done $0x0;
	s20 =	sand.u32 $0x380, s20  }
0x2c: {  	[sflag:s5] =	ssyncadd.s32 $0xFFFFC000;
	s20 =	sor.u32 s20, s21  }
0x2d: {  	v2 =	vld [tilespmem:s20+$0x10]  }
0x2e: {  	v3 =	vld [tilespmem:s20+$0x0]  }
0x2f: {  	v4 =	vld [tilespmem:s20+$0x30]  }
0x30: {  	v6 =	vld [tilespmem:s20+$0x70]  }
0x31: {  	v5 =	vld [tilespmem:s20+$0x50];
	_ =	sdelay $0x1  }
0x32: {  	v7 =	vshra.s32 v2, $0x1F  }
0x33: {  	v8 =	vshra.s32 v3, $0x1F;
	v7 =	vor.u32 $0x80000000, v7  }
0x34: {  	v11 =	vshra.s32 v6, $0x1F;
	v8 =	vor.u32 $0x80000000, v8;
	v2 =	vxor.u32 v2, v7  }
0x35: {  	v9 =	vld [tilespmem:s20+$0x60];
	v7 =	vshra.s32 v4, $0x1F;
	v3 =	vxor.u32 v3, v8;
	v8 =	vshra.s32 v5, $0x1F  }
0x36: {  	v10 =	vld [tilespmem:s20+$0x40];
	v7 =	vor.u32 $0x80000000, v7;
	v8 =	vor.u32 $0x80000000, v8;
	v12 =	vand.u32 $0xFFFF, v2  }
0x37: {  	v2 =	vshrl.u32 v2, $0x10;
	v14 =	vshrl.u32 v3, $0x10;
	v4 =	vxor.u32 v4, v7  }
0x38: {  	v5 =	vxor.u32 v5, v8;
	vm1 =	veq.s32 v2, v1;
	v7 =	vshrl.u32 v4, $0x10  }
0x39: {  	v2 =	vand.u32 $0xFFFF, v3;
	v13 =	vand.u32 $0xFFFF, v4;
	vm0 =	veq.s32 v7, v1;
	v7 =	vld [tilespmem:s20+$0x20]  }
0x3a: {  	s30 =	simm.s32 $0x8;
	s31 =	simm.s32 $0x400;
	v4 =	vor.u32 $0x80000000, v11;
	v8 =	vshrl.u32 v5, $0x10;
	v11 =	vshra.s32 v9, $0x1F  }
0x3b: {  	s21 =	sand.u32 $0x3C00, s31;
	v16 =	vand.u32 $0xFFFF, v5;
	s20 =	sand.u32 $0x380, s30;
	vm2 =	veq.s32 v8, v1;
	v8 =	vshra.s32 v10, $0x1F  }
0x3c: {  	v5 =	vor.u32 $0x80000000, v11;
	v4 =	vxor.u32 v6, v4;
	s20 =	sor.u32 s20, s21;
	v3 =	vor.u32 $0x80000000, v8  }
0x3d: {  	v5 =	vxor.u32 v9, v5;
	(xrf1) =	vunique.msk.u32 vm2, v16;
	v15 =	vshrl.u32 v4, $0x10;
	v3 =	vxor.u32 v10, v3;
	v6 =	vld [tilespmem:s20+$0x0]  }
0x3e: {  	v9 =	vshrl.u32 v5, $0x10;
	v11 =	vshrl.u32 v3, $0x10;
	v10 =	vshra.s32 v7, $0x1F  }
0x3f: {  	(xrf1) =	vunique.msk.u32 vm0, v13;
	v24 =	vand.u32 $0xFFFF, v3;
	v3 =	vand.u32 $0xFFFF, v5;
	v5 =	vor.u32 $0x80000000, v10  }
0x40: {  	v18 =	vand.u32 $0xFFFF, v4;
	v8 =	vld [tilespmem:s20+$0x10];
	vm3 =	veq.s32 v15, v1;
	(xrf1) =	vunique.msk.u32 vm1, v12;
	v5 =	vxor.u32 v7, v5  }
0x41: {  	vm2 =	veq.s32 v9, v1;
	vm1 =	veq.s32 v11, v1;
	(xrf1) =	vunique.msk.u32 vm3, v18;
	v9 =	vshrl.u32 v5, $0x10  }
0x42: {  	v17 =	vld [tilespmem:s20+$0x30];
	(xrf1) =	vunique.msk.u32 vm1, v24;
	v11 =	vshra.s32 v6, $0x1F;
	v19 =	vand.u32 $0xFFFF, v5;
	vm1 =	veq.s32 v9, v1  }
0x43: {  	v5 =	vor.u32 $0x80000000, v11;
	v11 =	vld [tilespmem:s20+$0x60];
	(xrf1) =	vunique.msk.u32 vm1, v19  }
0x44: {  	v4 =	vld [tilespmem:s20+$0x50]  }
0x45: {  	v7 =	vshra.s32 v8, $0x1F  }
0x46: {  	v10 =	vld [tilespmem:s20+$0x70];
	v7 =	vor.u32 $0x80000000, v7  }
0x47: {  	vm0 =	veq.s32 v14, v1;
	v7 =	vxor.u32 v8, v7  }
0x48: {  	v8 =	vshra.s32 v17, $0x1F;
	v14 =	vxor.u32 v6, v5;
	(xrf1) =	vunique.msk.u32 vm2, v3;
	v20 =	vshra.s32 v11, $0x1F  }
0x49: {  	v5 =	vshra.s32 v4, $0x1F;
	v6 =	vor.u32 $0x80000000, v8;
	(xrf1) =	vunique.msk.u32 vm0, v2;
	v20 =	vor.u32 $0x80000000, v20  }
0x4a: {  	v8 =	vld [tilespmem:s20+$0x40];
	v5 =	vor.u32 $0x80000000, v5;
	v21 =	vshrl.u32 v14, $0x10;
	v6 =	vxor.u32 v17, v6  }
0x4b: {  	s21 =	simm.s32 $0x800;
	v9 =	vshra.s32 v10, $0x1F;
	v4 =	vxor.u32 v4, v5;
	v17 =	vld [tilespmem:s20+$0x20];
	s20 =	simm.s32 $0x10;
	v15 =	vshrl.u32 v6, $0x10;
	_, v22, vm2 =	vpop (xrf1)  }
0x4c: {  	s23 =	sand.u32 $0x3C00, s21;
	s22 =	sand.u32 $0x380, s20;
	vm1 =	veq.s32 v15, v1;
	v15 =	vor.u32 $0x80000000, v9;
	v9 =	vshrl.u32 v4, $0x10  }
0x4d: {  	s22 =	sor.u32 s22, s23;
	vm6 =	veq.s32 v9, v1;
	v9 =	vand.u32 $0xFFFF, v4;
	v11 =	vxor.u32 v11, v20;
	_, v20, vm4 =	vpop (xrf1)  }
0x4e: {  	v5 =	vand.u32 $0xFFFF, v6;
	v6 =	vand.u32 $0xFFFF, v7;
	v7 =	vshrl.u32 v7, $0x10;
	v23 =	vld [tilespmem:s22+$0x30];
	(xrf1) =	vunique.msk.u32 vm6, v9;
	_, v27, vm5 =	vpop (xrf1)  }
0x4f: {  	vm3 =	veq.s32 v7, v1;
	v25 =	vld [tilespmem:s22+$0x10];
	v10 =	vxor.u32 v10, v15;
	v7 =	vshra.s32 v8, $0x1F;
	(xrf1) =	vunique.msk.u32 vm1, v5;
	_, v32, vm0 =	vpop (xrf1)  }
0x50: {  	vm7 =	veq.s32 v21, v1;
	v28 =	vld [tilespmem:s22+$0x0];
	v30 =	vshrl.u32 v10, $0x10;
	v7 =	vor.u32 $0x80000000, v7;
	(xrf1) =	vunique.msk.u32 vm3, v6;
	_, v60, vm3 =	vpop (xrf1)  }
0x51: {  	v10 =	vand.u32 $0xFFFF, v10;
	v26 =	vshrl.u32 v11, $0x10;
	v7 =	vxor.u32 v8, v7;
	[tilespmem:v16+s15+$0x0] =	vst.idx.add.s32.msk vm2, v22;
	_, v62, vm2 =	vpop (xrf1)  }
0x52: {  	v31 =	vld [tilespmem:s22+$0x50];
	v15 =	vshra.s32 v17, $0x1F;
	vm14 =	veq.s32 v30, v1;
	v29 =	vshrl.u32 v7, $0x10  }
0x53: {  	v8 =	vand.u32 $0xFFFF, v7;
	v7 =	vand.u32 $0xFFFF, v11;
	v11 =	vor.u32 $0x80000000, v15;
	v15 =	vld [tilespmem:s22+$0x70]  }
0x54: {  	v4 =	vand.u32 $0xFFFF, v14;
	vm1 =	veq.s32 v29, v1;
	(xrf1) =	vunique.msk.u32 vm14, v10;
	[tilespmem:v13+s15+$0x0] =	vst.idx.add.s32.msk vm4, v20  }
0x55: {  	vm8 =	veq.s32 v26, v1;
	v11 =	vxor.u32 v17, v11;
	v17 =	vshra.s32 v25, $0x1F;
	(xrf1) =	vunique.msk.u32 vm1, v8;
	v20 =	vld [tilespmem:s22+$0x60]  }
0x56: {  	v61 =	vshrl.u32 v11, $0x10;
	v17 =	vor.u32 $0x80000000, v17;
	v11 =	vand.u32 $0xFFFF, v11;
	[tilespmem:v18+s15+$0x0] =	vst.idx.add.s32.msk vm0, v32;
	_, v18, vm0 =	vpop (xrf1)  }
0x57: {  	v16 =	vshra.s32 v28, $0x1F;
	v21 =	vxor.u32 v25, v17;
	vm15 =	veq.s32 v61, v1;
	[tilespmem:v19+s15+$0x0] =	vst.idx.add.s32.msk vm2, v62;
	_, v19, vm1 =	vpop (xrf1)  }
0x58: {  	v13 =	vor.u32 $0x80000000, v16;
	[tilespmem:v12+s15+$0x0] =	vst.idx.add.s32.msk vm5, v27;
	v12 =	vshra.s32 v23, $0x1F;
	(xrf1) =	vunique.msk.u32 vm15, v11  }
0x59: {  	v17 =	vxor.u32 v28, v13;
	v13 =	vshra.s32 v31, $0x1F;
	v12 =	vor.u32 $0x80000000, v12;
	(xrf1) =	vunique.msk.u32 vm8, v7  }
0x5a: {  	v14 =	vld [tilespmem:s22+$0x40];
	v63 =	vshra.s32 v15, $0x1F;
	v13 =	vor.u32 $0x80000000, v13;
	v12 =	vxor.u32 v23, v12;
	(xrf1) =	vunique.msk.u32 vm7, v4  }
0x5b: {  	v16 =	vld [tilespmem:s22+$0x20];
	v22 =	vxor.u32 v31, v13;
	v23 =	vshrl.u32 v12, $0x10;
	v13 =	vand.u32 $0xFFFF, v12  }
0x5c: {  	[tilespmem:v24+s15+$0x0] =	vst.idx.add.s32.msk vm3, v60;
	v12 =	vand.u32 $0xFFFF, v21;
	vm2 =	veq.s32 v23, v1;
	v23 =	vor.u32 $0x80000000, v63  }
.LBB2_5:
0x5d: {  	s20 =	sadd.s32 $0x8, s20;
	v21 =	vshrl.u32 v21, $0x10;
	v24 =	vshrl.u32 v22, $0x10;
	v25 =	vshra.s32 v20, $0x1F;
	s21 =	sadd.s32 $0x400, s21;
	_, v26, vm4 =	vpop (xrf1);
	[tilespmem:v2+s15+$0x0] =	vst.idx.add.s32.msk vm1, v19  }
0x5e: {  	v19 =	vshrl.u32 v17, $0x10;
	s22 =	sand.u32 $0x380, s20;
	s23 =	sand.u32 $0x3C00, s21;
	p0 =	slt.u32 s20, $0x3F8;
	vm3 =	veq.s32 v21, v1;
	vm1 =	veq.s32 v24, v1;
	[tilespmem:v3+s15+$0x0] =	vst.idx.add.s32.msk vm0, v18  }
0x5f: {  	v28 =	vshra.s32 v14, $0x1F;
	v22 =	vand.u32 $0xFFFF, v22;
	v3 =	vor.u32 $0x80000000, v25;
	s22 =	sor.u32 s22, s23;
	_, v18, vm0 =	vpop (xrf1)  }
0x60: {  	v17 =	vand.u32 $0xFFFF, v17;
	v27 =	vor.u32 $0x80000000, v28;
	v3 =	vxor.u32 v20, v3;
	v24 =	vld [tilespmem:s22+$0x30];
	(xrf1) =	vunique.msk.u32 vm1, v22;
	_, v20, vm1 =	vpop (xrf1)  }
0x61: {  	v15 =	vxor.u32 v15, v23;
	v2 =	vmovc v4;
	v4 =	vmovc v17;
	v14 =	vxor.u32 v14, v27;
	v25 =	vshrl.u32 v3, $0x10;
	v21 =	vld [tilespmem:s22+$0x10]  }
0x62: {  	v23 =	vshra.s32 v16, $0x1F;
	v28 =	vshrl.u32 v15, $0x10;
	v27 =	vshrl.u32 v14, $0x10;
	v17 =	vld [tilespmem:s22+$0x0];
	(xrf1) =	vunique.msk.u32 vm2, v13;
	_, v29, vm2 =	vpop (xrf1)  }
0x63: {  	v33 =	vand.u32 $0xFFFF, v15;
	v31 =	vand.u32 $0xFFFF, v14;
	v32 =	vand.u32 $0xFFFF, v3;
	v30 =	vld [tilespmem:s22+$0x50];
	(xrf1) =	vunique.msk.u32 vm3, v12;
	_, v34, vm3 =	vpop (xrf1)  }
0x64: {  	v23 =	vor.u32 $0x80000000, v23;
	vm7 =	veq.s32 v28, v1;
	vm6 =	veq.s32 v27, v1;
	v3 =	vmovc v7;
	v7 =	vmovc v32;
	v14 =	vld [tilespmem:s22+$0x40]  }
0x65: {  	vm5 =	veq.s32 v19, v1;
	v16 =	vxor.u32 v16, v23;
	vm8 =	veq.s32 v25, v1;
	v15 =	vld [tilespmem:s22+$0x70];
	(xrf1) =	vunique.msk.u32 vm7, v33  }
0x66: {  	v23 =	vshrl.u32 v16, $0x10;
	v32 =	vshra.s32 v21, $0x1F;
	(xrf1) =	vunique.msk.u32 vm6, v31;
	[tilespmem:v9+s15+$0x0] =	vst.idx.add.s32.msk vm4, v26;
	_, v25, vm4 =	vpop (xrf1)  }
0x67: {  	v26 =	vand.u32 $0xFFFF, v16;
	v28 =	vshra.s32 v17, $0x1F;
	v27 =	vor.u32 $0x80000000, v32;
	[tilespmem:v5+s15+$0x0] =	vst.idx.add.s32.msk vm0, v18;
	_, v18, vm0 =	vpop (xrf1)  }
0x68: {  	vm6 =	veq.s32 v23, v1;
	v28 =	vor.u32 $0x80000000, v28;
	v21 =	vxor.u32 v21, v27;
	[tilespmem:v6+s15+$0x0] =	vst.idx.add.s32.msk vm1, v20;
	_, v19, vm1 =	vpop (xrf1)  }
.Ltmp1:
0x69: {  	v9 =	vmovc v22;
	v27 =	vshra.s32 v24, $0x1F;
	v6 =	vshra.s32 v30, $0x1F;
	v17 =	vxor.u32 v17, v28;
	v20 =	vld [tilespmem:s22+$0x60];
	(xrf1) =	vunique.msk.u32 vm6, v26;
	(pc) =	sbr.rel @p0 .LBB2_5-.Ltmp1, $4  }
0x6a: {  	v5 =	vmovc v13;
	v22 =	vor.u32 $0x80000000, v27;
	v27 =	vor.u32 $0x80000000, v6;
	v16 =	vld [tilespmem:s22+$0x20];
	v23 =	vshra.s32 v15, $0x1F;
	(xrf1) =	vunique.msk.u32 vm8, v7  }
0x6b: {  	v13 =	vxor.u32 v24, v22;
	v22 =	vxor.u32 v30, v27;
	(xrf1) =	vunique.msk.u32 vm5, v4;
	[tilespmem:v10+s15+$0x0] =	vst.idx.add.s32.msk vm2, v29  }
0x6c: {  	v24 =	vshrl.u32 v13, $0x10;
	v13 =	vand.u32 $0xFFFF, v13;
	v10 =	vmovc v33;
	v6 =	vmovc v12;
	[tilespmem:v11+s15+$0x0] =	vst.idx.add.s32.msk vm4, v25;
	v11 =	vmov v26  }
0x6d: {  	v12 =	vand.u32 $0xFFFF, v21;
	v23 =	vor.u32 $0x80000000, v23;
	vm2 =	veq.s32 v24, v1;
	[tilespmem:v8+s15+$0x0] =	vst.idx.add.s32.msk vm3, v34;
	v8 =	vmovc v31  }
0x6e: {  	v21 =	vshrl.u32 v21, $0x10  }
0x6f: {  	v24 =	vshrl.u32 v22, $0x10;
	v25 =	vshra.s32 v20, $0x1F;
	v22 =	vand.u32 $0xFFFF, v22  }
0x70: {  	v15 =	vxor.u32 v15, v23;
	vm3 =	veq.s32 v21, v1;
	v21 =	vshra.s32 v14, $0x1F  }
0x71: {  	vm4 =	veq.s32 v24, v1;
	v52 =	vor.u32 $0x80000000, v25;
	v21 =	vor.u32 $0x80000000, v21  }
0x72: {  	v53 =	vshrl.u32 v15, $0x10;
	v14 =	vxor.u32 v14, v21;
	v21 =	vshra.s32 v16, $0x1F  }
0x73: {  	v15 =	vand.u32 $0xFFFF, v15;
	v20 =	vxor.u32 v20, v52;
	(xrf1) =	vunique.msk.u32 vm4, v22;
	v21 =	vor.u32 $0x80000000, v21  }
0x74: {  	(xrf1) =	vunique.msk.u32 vm2, v13;
	vm2 =	veq.s32 v53, v1;
	v23 =	vshrl.u32 v14, $0x10;
	v16 =	vxor.u32 v16, v21  }
0x75: {  	(xrf1) =	vunique.msk.u32 vm3, v12;
	vm3 =	veq.s32 v23, v1;
	v23 =	vshrl.u32 v20, $0x10;
	v21 =	vshrl.u32 v16, $0x10  }
0x76: {  	v14 =	vand.u32 $0xFFFF, v14;
	(xrf1) =	vunique.msk.u32 vm2, v15;
	vm2 =	veq.s32 v21, v1;
	v21 =	vshrl.u32 v17, $0x10  }
0x77: {  	(xrf1) =	vunique.msk.u32 vm3, v14;
	v16 =	vand.u32 $0xFFFF, v16  }
0x78: {  	v20 =	vand.u32 $0xFFFF, v20;
	vm3 =	veq.s32 v23, v1;
	(xrf1) =	vunique.msk.u32 vm2, v16  }
0x79: {  	v17 =	vand.u32 $0xFFFF, v17;
	vm11 =	veq.s32 v21, v1;
	_, v23, vm2 =	vpop (xrf1);
	(xrf1) =	vunique.msk.u32 vm3, v20  }
0x7a: {  	_, v21, vm3 =	vpop (xrf1);
	(xrf1) =	vunique.msk.u32 vm11, v17  }
0x7b: {  	_, v54, vm12 =	vpop (xrf1)  }
0x7c: {  	_, v55, vm5 =	vpop (xrf1)  }
0x7d: {  	[tilespmem:v2+s15+$0x0] =	vst.idx.add.s32.msk vm1, v19;
	_, v26, vm6 =	vpop (xrf1)  }
0x7e: {  	[tilespmem:v3+s15+$0x0] =	vst.idx.add.s32.msk vm0, v18;
	_, v27, vm7 =	vpop (xrf1)  }
0x7f: {  	[tilespmem:v9+s15+$0x0] =	vst.idx.add.s32.msk vm2, v23;
	_, v2, vm1 =	vpop (xrf1)  }
0x80: {  	_, v3, vm0 =	vpop (xrf1);
	[tilespmem:v5+s15+$0x0] =	vst.idx.add.s32.msk vm3, v21  }
0x81: {  	_, v5, vm2 =	vpop (xrf1);
	[tilespmem:v6+s15+$0x0] =	vst.idx.add.s32.msk vm12, v54  }
0x82: {  	_, v6, vm3 =	vpop (xrf1);
	[tilespmem:v10+s15+$0x0] =	vst.idx.add.s32.msk vm5, v55  }
0x83: {  	_, v9, vm13 =	vpop (xrf1);
	[tilespmem:v8+s15+$0x0] =	vst.idx.add.s32.msk vm6, v26  }
0x84: {  	[tilespmem:v11+s15+$0x0] =	vst.idx.add.s32.msk vm7, v27;
	_, v10, vm5 =	vpop (xrf1)  }
0x85: {  	_, v8, vm6 =	vpop (xrf1);
	[tilespmem:v7+s15+$0x0] =	vst.idx.add.s32.msk vm1, v2  }
0x86: {  	[tilespmem:v4+s15+$0x0] =	vst.idx.add.s32.msk vm0, v3;
	_, v3, vm0 =	vpop (xrf1)  }
0x87: {  	_, v2, vm1 =	vpop (xrf1);
	[tilespmem:v22+s15+$0x0] =	vst.idx.add.s32.msk vm2, v5  }
0x88: {  	_, v4, vm2 =	vpop (xrf1);
	[tilespmem:v13+s15+$0x0] =	vst.idx.add.s32.msk vm3, v6  }
0x89: {  	s20 =	sshll.u32 s19, $0x1;
	[tilespmem:v12+s15+$0x0] =	vst.idx.add.s32.msk vm13, v9  }
0x8a: {  	s21 =	smin.u32 s20, $0x5;
	[tilespmem:v15+s15+$0x0] =	vst.idx.add.s32.msk vm5, v10  }
0x8b: {  	s21 =	sshll.u32 s21, $0xE;
	[tilespmem:v14+s15+$0x0] =	vst.idx.add.s32.msk vm6, v8  }
0x8c: {  	s21 =	sadd.s32 s21, s8;
	[tilespmem:v16+s15+$0x0] =	vst.idx.add.s32.msk vm0, v3  }
0x8d: {  	s21 =	sshrl.u32 s21, $0x3;
	[tilespmem:v20+s15+$0x0] =	vst.idx.add.s32.msk vm1, v2  }
0x8e: {  	s22 =	simm.s32 $0x0;
	s21 =	sadd.s32 s1, s21;
	[tilespmem:v17+s15+$0x0] =	vst.idx.add.s32.msk vm2, v4  }
0x8f: {  	[tilespmem:s22], [sflag:$0x1] =	stream.linear.gather [hbm4b:s21+s22], $0x4000, $0x38;
	[tilespmem:$0x18080] =	vst v63  }
0x90: {  	s29 =	simm.s32 $0x0;
	_ =	swait.ge [sflag:s16], $0x4000  }
0x91: {  	s21 =	sand.u32 $0x380, s29;
	s22 =	sand.u32 $0x3C00, s22;
	[sflag:s16] =	ssyncset.done $0x0  }
0x92: {  	s21 =	sor.u32 s21, s22;
	[sflag:s16] =	ssyncadd.s32 $0xFFFFC000  }
0x93: {  	v2 =	vld [tilespmem:s21+$0x4010]  }
0x94: {  	v3 =	vld [tilespmem:s21+$0x4000]  }
0x95: {  	v4 =	vld [tilespmem:s21+$0x4030]  }
0x96: {  	v6 =	vld [tilespmem:s21+$0x4070]  }
0x97: {  	v5 =	vld [tilespmem:s21+$0x4050];
	_ =	sdelay $0x1  }
0x98: {  	v7 =	vshra.s32 v2, $0x1F  }
0x99: {  	v8 =	vshra.s32 v3, $0x1F;
	v7 =	vor.u32 $0x80000000, v7  }
0x9a: {  	v11 =	vshra.s32 v6, $0x1F;
	v8 =	vor.u32 $0x80000000, v8;
	v2 =	vxor.u32 v2, v7  }
0x9b: {  	v9 =	vld [tilespmem:s21+$0x4060];
	v7 =	vshra.s32 v4, $0x1F;
	v3 =	vxor.u32 v3, v8;
	v8 =	vshra.s32 v5, $0x1F  }
0x9c: {  	v10 =	vld [tilespmem:s21+$0x4040];
	v7 =	vor.u32 $0x80000000, v7;
	v8 =	vor.u32 $0x80000000, v8;
	v12 =	vand.u32 $0xFFFF, v2  }
0x9d: {  	v2 =	vshrl.u32 v2, $0x10;
	v14 =	vshrl.u32 v3, $0x10;
	v4 =	vxor.u32 v4, v7  }
0x9e: {  	v5 =	vxor.u32 v5, v8;
	vm1 =	veq.s32 v2, v1;
	v7 =	vshrl.u32 v4, $0x10  }
0x9f: {  	v2 =	vand.u32 $0xFFFF, v3;
	v13 =	vand.u32 $0xFFFF, v4;
	vm0 =	veq.s32 v7, v1;
	v7 =	vld [tilespmem:s21+$0x4020]  }
0xa0: {  	s30 =	simm.s32 $0x8;
	s31 =	simm.s32 $0x400;
	v4 =	vor.u32 $0x80000000, v11;
	v8 =	vshrl.u32 v5, $0x10;
	v11 =	vshra.s32 v9, $0x1F  }
0xa1: {  	s22 =	sand.u32 $0x3C00, s31;
	v16 =	vand.u32 $0xFFFF, v5;
	s21 =	sand.u32 $0x380, s30;
	vm2 =	veq.s32 v8, v1;
	v8 =	vshra.s32 v10, $0x1F  }
0xa2: {  	v5 =	vor.u32 $0x80000000, v11;
	v4 =	vxor.u32 v6, v4;
	s21 =	sor.u32 s21, s22;
	v3 =	vor.u32 $0x80000000, v8  }
0xa3: {  	v5 =	vxor.u32 v9, v5;
	(xrf1) =	vunique.msk.u32 vm2, v16;
	v15 =	vshrl.u32 v4, $0x10;
	v3 =	vxor.u32 v10, v3;
	v6 =	vld [tilespmem:s21+$0x4000]  }
0xa4: {  	v9 =	vshrl.u32 v5, $0x10;
	v11 =	vshrl.u32 v3, $0x10;
	v10 =	vshra.s32 v7, $0x1F  }
0xa5: {  	(xrf1) =	vunique.msk.u32 vm0, v13;
	v56 =	vand.u32 $0xFFFF, v3;
	v3 =	vand.u32 $0xFFFF, v5;
	v5 =	vor.u32 $0x80000000, v10  }
0xa6: {  	v18 =	vand.u32 $0xFFFF, v4;
	v8 =	vld [tilespmem:s21+$0x4010];
	vm3 =	veq.s32 v15, v1;
	(xrf1) =	vunique.msk.u32 vm1, v12;
	v5 =	vxor.u32 v7, v5  }
0xa7: {  	vm2 =	veq.s32 v9, v1;
	vm1 =	veq.s32 v11, v1;
	(xrf1) =	vunique.msk.u32 vm3, v18;
	v9 =	vshrl.u32 v5, $0x10  }
0xa8: {  	v17 =	vld [tilespmem:s21+$0x4030];
	(xrf1) =	vunique.msk.u32 vm1, v56;
	v11 =	vshra.s32 v6, $0x1F;
	v19 =	vand.u32 $0xFFFF, v5;
	vm1 =	veq.s32 v9, v1  }
0xa9: {  	v5 =	vor.u32 $0x80000000, v11;
	v11 =	vld [tilespmem:s21+$0x4060];
	(xrf1) =	vunique.msk.u32 vm1, v19  }
0xaa: {  	v4 =	vld [tilespmem:s21+$0x4050]  }
0xab: {  	v7 =	vshra.s32 v8, $0x1F  }
0xac: {  	v10 =	vld [tilespmem:s21+$0x4070];
	v7 =	vor.u32 $0x80000000, v7  }
0xad: {  	vm0 =	veq.s32 v14, v1;
	v7 =	vxor.u32 v8, v7  }
0xae: {  	v8 =	vshra.s32 v17, $0x1F;
	v14 =	vxor.u32 v6, v5;
	(xrf1) =	vunique.msk.u32 vm2, v3;
	v20 =	vshra.s32 v11, $0x1F  }
0xaf: {  	v5 =	vshra.s32 v4, $0x1F;
	v6 =	vor.u32 $0x80000000, v8;
	(xrf1) =	vunique.msk.u32 vm0, v2;
	v20 =	vor.u32 $0x80000000, v20  }
0xb0: {  	v8 =	vld [tilespmem:s21+$0x4040];
	v5 =	vor.u32 $0x80000000, v5;
	v21 =	vshrl.u32 v14, $0x10;
	v6 =	vxor.u32 v17, v6  }
0xb1: {  	s22 =	simm.s32 $0x800;
	v9 =	vshra.s32 v10, $0x1F;
	v4 =	vxor.u32 v4, v5;
	v17 =	vld [tilespmem:s21+$0x4020];
	s21 =	simm.s32 $0x10;
	v15 =	vshrl.u32 v6, $0x10;
	_, v22, vm2 =	vpop (xrf1)  }
0xb2: {  	s24 =	sand.u32 $0x3C00, s22;
	s23 =	sand.u32 $0x380, s21;
	vm1 =	veq.s32 v15, v1;
	v15 =	vor.u32 $0x80000000, v9;
	v9 =	vshrl.u32 v4, $0x10  }
0xb3: {  	s23 =	sor.u32 s23, s24;
	vm14 =	veq.s32 v9, v1;
	v9 =	vand.u32 $0xFFFF, v4;
	v11 =	vxor.u32 v11, v20;
	_, v20, vm15 =	vpop (xrf1)  }
0xb4: {  	v5 =	vand.u32 $0xFFFF, v6;
	v6 =	vand.u32 $0xFFFF, v7;
	v7 =	vshrl.u32 v7, $0x10;
	v23 =	vld [tilespmem:s23+$0x4030];
	(xrf1) =	vunique.msk.u32 vm14, v9;
	_, v59, vm12 =	vpop (xrf1)  }
0xb5: {  	vm3 =	veq.s32 v7, v1;
	v57 =	vld [tilespmem:s23+$0x4010];
	v10 =	vxor.u32 v10, v15;
	v7 =	vshra.s32 v8, $0x1F;
	(xrf1) =	vunique.msk.u32 vm1, v5;
	_, v32, vm0 =	vpop (xrf1)  }
0xb6: {  	v4 =	vand.u32 $0xFFFF, v14;
	v28 =	vld [tilespmem:s23+$0x4000];
	v30 =	vshrl.u32 v10, $0x10;
	v7 =	vor.u32 $0x80000000, v7;
	(xrf1) =	vunique.msk.u32 vm3, v6;
	_, v60, vm3 =	vpop (xrf1)  }
0xb7: {  	v10 =	vand.u32 $0xFFFF, v10;
	v58 =	vshrl.u32 v11, $0x10;
	v7 =	vxor.u32 v8, v7;
	[tilespmem:v16+s15+$0x0] =	vst.idx.add.s32.msk vm2, v22;
	_, v62, vm2 =	vpop (xrf1)  }
0xb8: {  	v31 =	vld [tilespmem:s23+$0x4050];
	v15 =	vshra.s32 v17, $0x1F;
	vm13 =	veq.s32 v30, v1;
	v29 =	vshrl.u32 v7, $0x10  }
0xb9: {  	v8 =	vand.u32 $0xFFFF, v7;
	v7 =	vand.u32 $0xFFFF, v11;
	v11 =	vor.u32 $0x80000000, v15;
	v15 =	vld [tilespmem:s23+$0x4070]  }
0xba: {  	vm14 =	veq.s32 v21, v1;
	vm1 =	veq.s32 v29, v1;
	(xrf1) =	vunique.msk.u32 vm13, v10;
	[tilespmem:v13+s15+$0x0] =	vst.idx.add.s32.msk vm15, v20  }
0xbb: {  	vm8 =	veq.s32 v58, v1;
	v11 =	vxor.u32 v17, v11;
	v17 =	vshra.s32 v57, $0x1F;
	(xrf1) =	vunique.msk.u32 vm1, v8;
	v20 =	vld [tilespmem:s23+$0x4060]  }
0xbc: {  	v61 =	vshrl.u32 v11, $0x10;
	v17 =	vor.u32 $0x80000000, v17;
	v11 =	vand.u32 $0xFFFF, v11;
	[tilespmem:v18+s15+$0x0] =	vst.idx.add.s32.msk vm0, v32;
	_, v18, vm0 =	vpop (xrf1)  }
0xbd: {  	v16 =	vshra.s32 v28, $0x1F;
	v21 =	vxor.u32 v57, v17;
	vm15 =	veq.s32 v61, v1;
	[tilespmem:v19+s15+$0x0] =	vst.idx.add.s32.msk vm2, v62;
	_, v19, vm1 =	vpop (xrf1)  }
0xbe: {  	v13 =	vor.u32 $0x80000000, v16;
	[tilespmem:v12+s15+$0x0] =	vst.idx.add.s32.msk vm12, v59;
	v12 =	vshra.s32 v23, $0x1F;
	(xrf1) =	vunique.msk.u32 vm15, v11  }
0xbf: {  	v17 =	vxor.u32 v28, v13;
	v13 =	vshra.s32 v31, $0x1F;
	v12 =	vor.u32 $0x80000000, v12;
	(xrf1) =	vunique.msk.u32 vm8, v7  }
0xc0: {  	v14 =	vld [tilespmem:s23+$0x4040];
	v63 =	vshra.s32 v15, $0x1F;
	v13 =	vor.u32 $0x80000000, v13;
	v12 =	vxor.u32 v23, v12;
	(xrf1) =	vunique.msk.u32 vm14, v4  }
0xc1: {  	v16 =	vld [tilespmem:s23+$0x4020];
	v22 =	vxor.u32 v31, v13;
	v23 =	vshrl.u32 v12, $0x10;
	v13 =	vand.u32 $0xFFFF, v12  }
0xc2: {  	[tilespmem:v56+s15+$0x0] =	vst.idx.add.s32.msk vm3, v60;
	v12 =	vand.u32 $0xFFFF, v21;
	vm2 =	veq.s32 v23, v1;
	v23 =	vor.u32 $0x80000000, v63  }
.LBB2_7:
0xc3: {  	s21 =	sadd.s32 $0x8, s21;
	v21 =	vshrl.u32 v21, $0x10;
	v24 =	vshrl.u32 v22, $0x10;
	v25 =	vshra.s32 v20, $0x1F;
	s22 =	sadd.s32 $0x400, s22;
	_, v26, vm4 =	vpop (xrf1);
	[tilespmem:v2+s15+$0x0] =	vst.idx.add.s32.msk vm1, v19  }
0xc4: {  	v19 =	vshrl.u32 v17, $0x10;
	s23 =	sand.u32 $0x380, s21;
	s24 =	sand.u32 $0x3C00, s22;
	p0 =	slt.u32 s21, $0x3F8;
	vm3 =	veq.s32 v21, v1;
	vm1 =	veq.s32 v24, v1;
	[tilespmem:v3+s15+$0x0] =	vst.idx.add.s32.msk vm0, v18  }
0xc5: {  	v28 =	vshra.s32 v14, $0x1F;
	v22 =	vand.u32 $0xFFFF, v22;
	v3 =	vor.u32 $0x80000000, v25;
	s23 =	sor.u32 s23, s24;
	_, v18, vm0 =	vpop (xrf1)  }
0xc6: {  	v17 =	vand.u32 $0xFFFF, v17;
	v27 =	vor.u32 $0x80000000, v28;
	v3 =	vxor.u32 v20, v3;
	v24 =	vld [tilespmem:s23+$0x4030];
	(xrf1) =	vunique.msk.u32 vm1, v22;
	_, v20, vm1 =	vpop (xrf1)  }
0xc7: {  	v15 =	vxor.u32 v15, v23;
	v2 =	vmovc v4;
	v4 =	vmovc v17;
	v14 =	vxor.u32 v14, v27;
	v25 =	vshrl.u32 v3, $0x10;
	v21 =	vld [tilespmem:s23+$0x4010]  }
0xc8: {  	v23 =	vshra.s32 v16, $0x1F;
	v28 =	vshrl.u32 v15, $0x10;
	v27 =	vshrl.u32 v14, $0x10;
	v17 =	vld [tilespmem:s23+$0x4000];
	(xrf1) =	vunique.msk.u32 vm2, v13;
	_, v29, vm2 =	vpop (xrf1)  }
0xc9: {  	v33 =	vand.u32 $0xFFFF, v15;
	v31 =	vand.u32 $0xFFFF, v14;
	v32 =	vand.u32 $0xFFFF, v3;
	v30 =	vld [tilespmem:s23+$0x4050];
	(xrf1) =	vunique.msk.u32 vm3, v12;
	_, v34, vm3 =	vpop (xrf1)  }
0xca: {  	v23 =	vor.u32 $0x80000000, v23;
	vm7 =	veq.s32 v28, v1;
	vm6 =	veq.s32 v27, v1;
	v3 =	vmovc v7;
	v7 =	vmovc v32;
	v14 =	vld [tilespmem:s23+$0x4040]  }
0xcb: {  	vm5 =	veq.s32 v19, v1;
	v16 =	vxor.u32 v16, v23;
	vm8 =	veq.s32 v25, v1;
	v15 =	vld [tilespmem:s23+$0x4070];
	(xrf1) =	vunique.msk.u32 vm7, v33  }
0xcc: {  	v23 =	vshrl.u32 v16, $0x10;
	v32 =	vshra.s32 v21, $0x1F;
	(xrf1) =	vunique.msk.u32 vm6, v31;
	[tilespmem:v9+s15+$0x0] =	vst.idx.add.s32.msk vm4, v26;
	_, v25, vm4 =	vpop (xrf1)  }
0xcd: {  	v26 =	vand.u32 $0xFFFF, v16;
	v28 =	vshra.s32 v17, $0x1F;
	v27 =	vor.u32 $0x80000000, v32;
	[tilespmem:v5+s15+$0x0] =	vst.idx.add.s32.msk vm0, v18;
	_, v18, vm0 =	vpop (xrf1)  }
0xce: {  	vm6 =	veq.s32 v23, v1;
	v28 =	vor.u32 $0x80000000, v28;
	v21 =	vxor.u32 v21, v27;
	[tilespmem:v6+s15+$0x0] =	vst.idx.add.s32.msk vm1, v20;
	_, v19, vm1 =	vpop (xrf1)  }
.Ltmp2:
0xcf: {  	v9 =	vmovc v22;
	v27 =	vshra.s32 v24, $0x1F;
	v6 =	vshra.s32 v30, $0x1F;
	v17 =	vxor.u32 v17, v28;
	v20 =	vld [tilespmem:s23+$0x4060];
	(xrf1) =	vunique.msk.u32 vm6, v26;
	(pc) =	sbr.rel @p0 .LBB2_7-.Ltmp2, $4  }
0xd0: {  	v5 =	vmovc v13;
	v22 =	vor.u32 $0x80000000, v27;
	v27 =	vor.u32 $0x80000000, v6;
	v16 =	vld [tilespmem:s23+$0x4020];
	v23 =	vshra.s32 v15, $0x1F;
	(xrf1) =	vunique.msk.u32 vm8, v7  }
0xd1: {  	v13 =	vxor.u32 v24, v22;
	v22 =	vxor.u32 v30, v27;
	(xrf1) =	vunique.msk.u32 vm5, v4;
	[tilespmem:v10+s15+$0x0] =	vst.idx.add.s32.msk vm2, v29  }
0xd2: {  	v24 =	vshrl.u32 v13, $0x10;
	v13 =	vand.u32 $0xFFFF, v13;
	v10 =	vmovc v33;
	v6 =	vmovc v12;
	[tilespmem:v11+s15+$0x0] =	vst.idx.add.s32.msk vm4, v25;
	v11 =	vmov v26  }
0xd3: {  	v12 =	vand.u32 $0xFFFF, v21;
	v23 =	vor.u32 $0x80000000, v23;
	vm2 =	veq.s32 v24, v1;
	[tilespmem:v8+s15+$0x0] =	vst.idx.add.s32.msk vm3, v34;
	v8 =	vmovc v31  }
0xd4: {  	v21 =	vshrl.u32 v21, $0x10  }
0xd5: {  	v24 =	vshrl.u32 v22, $0x10;
	v25 =	vshra.s32 v20, $0x1F;
	v44 =	vshra.s32 v14, $0x1F  }
0xd6: {  	v46 =	vand.u32 $0xFFFF, v22;
	v15 =	vxor.u32 v15, v23;
	vm3 =	veq.s32 v21, v1  }
0xd7: {  	vm4 =	veq.s32 v24, v1;
	v45 =	vor.u32 $0x80000000, v25;
	v21 =	vor.u32 $0x80000000, v44  }
0xd8: {  	v49 =	vshra.s32 v16, $0x1F;
	v51 =	vshrl.u32 v15, $0x10;
	v15 =	vand.u32 $0xFFFF, v15;
	(xrf1) =	vunique.msk.u32 vm4, v46  }
0xd9: {  	v47 =	vxor.u32 v20, v45;
	v48 =	vxor.u32 v14, v21;
	v21 =	vor.u32 $0x80000000, v49;
	(xrf1) =	vunique.msk.u32 vm2, v13  }
0xda: {  	vm11 =	veq.s32 v51, v1;
	v50 =	vshrl.u32 v48, $0x10;
	v52 =	vxor.u32 v16, v21;
	(xrf1) =	vunique.msk.u32 vm3, v12  }
0xdb: {  	v14 =	vand.u32 $0xFFFF, v48;
	vm12 =	veq.s32 v50, v1;
	v21 =	vshrl.u32 v52, $0x10;
	(xrf1) =	vunique.msk.u32 vm11, v15  }
0xdc: {  	v53 =	vshrl.u32 v47, $0x10;
	v16 =	vand.u32 $0xFFFF, v52;
	vm13 =	veq.s32 v21, v1;
	(xrf1) =	vunique.msk.u32 vm12, v14  }
0xdd: {  	v54 =	vshrl.u32 v17, $0x10;
	v20 =	vand.u32 $0xFFFF, v47;
	vm14 =	veq.s32 v53, v1;
	(xrf1) =	vunique.msk.u32 vm13, v16  }
0xde: {  	_, v55, vm15 =	vpop (xrf1);
	v56 =	vand.u32 $0xFFFF, v17;
	vm9 =	veq.s32 v54, v1;
	(xrf1) =	vunique.msk.u32 vm14, v20  }
0xdf: {  	_, v57, vm10 =	vpop (xrf1);
	(xrf1) =	vunique.msk.u32 vm9, v56  }
0xe0: {  	_, v58, vm11 =	vpop (xrf1)  }
0xe1: {  	_, v59, vm5 =	vpop (xrf1)  }
0xe2: {  	[tilespmem:v2+s15+$0x0] =	vst.idx.add.s32.msk vm1, v19;
	_, v26, vm6 =	vpop (xrf1)  }
0xe3: {  	[tilespmem:v3+s15+$0x0] =	vst.idx.add.s32.msk vm0, v18;
	_, v27, vm7 =	vpop (xrf1)  }
0xe4: {  	[tilespmem:v9+s15+$0x0] =	vst.idx.add.s32.msk vm15, v55;
	_, v2, vm1 =	vpop (xrf1)  }
0xe5: {  	[tilespmem:v5+s15+$0x0] =	vst.idx.add.s32.msk vm10, v57;
	_, v3, vm0 =	vpop (xrf1)  }
0xe6: {  	[tilespmem:v6+s15+$0x0] =	vst.idx.add.s32.msk vm11, v58;
	_, v60, vm12 =	vpop (xrf1)  }
0xe7: {  	[tilespmem:v10+s15+$0x0] =	vst.idx.add.s32.msk vm5, v59;
	_, v61, vm13 =	vpop (xrf1)  }
0xe8: {  	[tilespmem:v8+s15+$0x0] =	vst.idx.add.s32.msk vm6, v26;
	_, v62, vm14 =	vpop (xrf1)  }
0xe9: {  	[tilespmem:v11+s15+$0x0] =	vst.idx.add.s32.msk vm7, v27;
	_, v10, vm5 =	vpop (xrf1)  }
0xea: {  	[tilespmem:v7+s15+$0x0] =	vst.idx.add.s32.msk vm1, v2;
	_, v8, vm6 =	vpop (xrf1)  }
0xeb: {  	[tilespmem:v4+s15+$0x0] =	vst.idx.add.s32.msk vm0, v3;
	_, v3, vm0 =	vpop (xrf1)  }
0xec: {  	_, v2, vm1 =	vpop (xrf1);
	[tilespmem:v46+s15+$0x0] =	vst.idx.add.s32.msk vm12, v60  }
0xed: {  	_, v63, vm15 =	vpop (xrf1);
	[tilespmem:v13+s15+$0x0] =	vst.idx.add.s32.msk vm13, v61  }
0xee: {  	s19 =	sadd.s32 $0x1, s19;
	[tilespmem:v12+s15+$0x0] =	vst.idx.add.s32.msk vm14, v62  }
0xef: {  	s20 =	smin.u32 s20, $0x4;
	p0 =	sne.s32 s19, $0x4;
	[tilespmem:v15+s15+$0x0] =	vst.idx.add.s32.msk vm5, v10  }
.Ltmp3:
0xf0: {  	s20 =	sshll.u32 s20, $0xE;
	[tilespmem:v14+s15+$0x0] =	vst.idx.add.s32.msk vm6, v8;
	(pc) =	sbr.rel @p0 .LBB2_4-.Ltmp3, $4  }
0xf1: {  	s20 =	sadd.s32 s20, s9;
	[tilespmem:v16+s15+$0x0] =	vst.idx.add.s32.msk vm0, v3  }
0xf2: {  	s20 =	sshrl.u32 s20, $0x3;
	[tilespmem:v20+s15+$0x0] =	vst.idx.add.s32.msk vm1, v2  }
0xf3: {  	s20 =	sadd.s32 s1, s20;
	[tilespmem:v56+s15+$0x0] =	vst.idx.add.s32.msk vm15, v63  }
0xf4: {  	[tilespmem:s12], [sflag:$0x2] =	stream.linear.gather [hbm4b:s20+s3], $0x4000, $0x38;
	[tilespmem:$0x18080] =	vst v63  }
0xf5: {  	_ =	swait.ge [sflag:s5], $0x4000  }
0xf6: {  	[sflag:s5] =	ssyncset.done $0x0  }
0xf7: {  	[sflag:s5] =	ssyncadd.s32 $0xFFFFC000  }
0xf8: {  	s17 =	sadd.s32 $0x1, s17;
	_ =	swait.ge [sflag:s16], $0x4000  }
0xf9: {  	p0 =	sne.s32 s17, s11;
	[sflag:s16] =	ssyncset.done $0x0  }
.Ltmp4:
0xfa: {  	[sflag:s16] =	ssyncadd.s32 $0xFFFFC000;
	(pc) =	sbr.rel @p0 .LBB2_1-.Ltmp4, $4  }
0xfb: {  	[hbm4b:s10+s3] =	stream.linear.scatter [tilespmem:s15], [sflag:$0x3], $0x10000, $0x38;
	[tilespmem:$0x18080] =	vst v63  }
0xfc: {  	_ =	swait.ge [sflag:s14], $0x10000  }
0xfd: {  	[sflag:s14] =	ssyncset.done $0x0  }
0xfe: {  	[sflag:s14] =	ssyncadd.s32 $0xFFFF0000  }
0xff: {  	_ =	sfence.sel $0x180000  }
0x100: {  	[bflag:$0x0] =	sbarrier.arrive $0xFFFF  }
0x101: {  	p0 =	sne.s32 s0, $0x0;
	_ =	strace $0x9000004A  }
0x102: {  	s0 =	sadd.s32 @!p0 $0x100000, s2;
	[bflag:$0x2] =	sbarrier.arrive $0xFFFF  }
0x103: {  	[sflag:s0] =	ssyncadd.tile.s32 @!p0 $0x1;
	_ =	shalt  }
.Lfunc_end2:
_tile_overlayer_lowered:
.L_overlay_start_2:
0x104: {  	(tag) =	ssettag $0x2  }
0x105: {  	s0 =	rddreg [dreg:$0x0];
	s2 =	stileid.u32  }
0x106: {  	s1 =	rddreg [dreg:$0x1];
	p0 =	sne.s32 s2, $0x0  }
0x107: {  	s3 =	rddreg [dreg:$0x2];
	[bflag:$0x3] =	sbarrier.arrive $0xFFFF;
	s2 =	simm.s32 @!p0 $0x1C03  }
0x108: {  	[timem:s3], [sflag:s2] =	dma.local @!p0 [hbm:s0], s1  }
0x109: {  	s0 =	simm.s32 @!p0 $0x3  }
0x10a: {  	_ =	swait.ge @!p0 [sflag:s0], s1  }
0x10b: {  	s1 =	ssub.s32 @!p0 $0x0, s1;
	[sflag:s0] =	ssyncset.done @!p0 $0x0  }
0x10c: {  	[sflag:s0] =	ssyncadd.s32 @!p0 s1  }
0x10d: {  	[bflag:$0x3] =	sbarrier.arrive $0xFFFF  }
0x10e: {  	_ =	shalt  }

</sc_bundles>
